<compile_context>
chip_gen: v7x
topology: tpu7x:2x2x1
jax: 0.10.2.dev20260603
libtpu: 0.0.44.dev20260713+nightly
codegen_flags: <defaults>
</compile_context>

<pallas_src>
import functools

import jax
import jax.numpy as jnp
from jax import lax
from jax.experimental import pallas as pl
from jax.experimental.pallas import tpu as pltpu
from jax.experimental.pallas import tpu_sc as plsc

_B, _P, _C, _O = 32, 8732, 81, 12
_NEG_POS = 3
_OVTH = 0.5
_PB = 8736
_CEW = 2048
_L = 16
_CH = _PB // _L
_ONEBITS = 0x3F800000
_LC = (0.043432123558091715, -0.40489056137051477, 1.593968600299121,
       -3.492589774569492, 5.046943036625113, -2.786831523366335)
_LN2 = 0.6931471805599453


def _match_body(gt_ref, pri_ref, locp_ref, conf_ref, lp_ref, np_ref):
    px = pri_ref[0:1, :]
    py = pri_ref[1:2, :]
    pw = pri_ref[2:3, :]
    ph = pri_ref[3:4, :]
    x1 = px - pw * 0.5
    y1 = py - ph * 0.5
    x2 = px + pw * 0.5
    y2 = py + ph * 0.5
    area_p = (x2 - x1) * (y2 - y1)
    g = gt_ref[0]
    tx1 = g[:, 0:1]
    ty1 = g[:, 1:2]
    tx2 = g[:, 2:3]
    ty2 = g[:, 3:4]
    lab = g[:, 4:5]
    ix = jnp.maximum(jnp.minimum(tx2, x2) - jnp.maximum(tx1, x1), 0.0)
    iy = jnp.maximum(jnp.minimum(ty2, y2) - jnp.maximum(ty1, y1), 0.0)
    inter = ix * iy
    area_t = (tx2 - tx1) * (ty2 - ty1)
    ov = inter / (area_t + area_p - inter)

    tio = jax.lax.broadcasted_iota(jnp.int32, ov.shape, 0)
    lio = jax.lax.broadcasted_iota(jnp.int32, ov.shape, 1)
    bov = jnp.max(ov, axis=0, keepdims=True)
    bidx = jnp.min(jnp.where(ov == bov, tio, _O), axis=0, keepdims=True)
    rm = jnp.max(ov, axis=1, keepdims=True)
    bpi = jnp.min(jnp.where(ov == rm, lio, _PB), axis=1, keepdims=True)
    hit = lio == bpi
    last_t = jnp.max(jnp.where(hit, tio, -1), axis=0, keepdims=True)
    anyh = last_t >= 0
    bov = jnp.where(anyh, 2.0, bov)
    bidx = jnp.where(anyh, last_t, bidx)

    sel = bidx == tio
    conf = jnp.sum(jnp.where(sel, lab, 0.0), axis=0, keepdims=True)
    mx1 = jnp.sum(jnp.where(sel, tx1, 0.0), axis=0, keepdims=True)
    my1 = jnp.sum(jnp.where(sel, ty1, 0.0), axis=0, keepdims=True)
    mx2 = jnp.sum(jnp.where(sel, tx2, 0.0), axis=0, keepdims=True)
    my2 = jnp.sum(jnp.where(sel, ty2, 0.0), axis=0, keepdims=True)
    confi = jnp.where(bov < _OVTH, 0, conf.astype(jnp.int32))
    conf_ref[...] = confi.reshape(1, 1, _PB)
    posf = (confi > 0).astype(jnp.float32)

    g_cx = ((mx1 + mx2) * 0.5 - px) / (0.1 * pw)
    g_cy = ((my1 + my2) * 0.5 - py) / (0.1 * ph)
    g_w = jnp.log((mx2 - mx1) / pw) / 0.2
    g_h = jnp.log((my2 - my1) / ph) / 0.2
    lp4 = locp_ref[0]
    s = jnp.float32(0.0)
    for d in range(4):
        df = lp4[d:d + 1, :] - (g_cx, g_cy, g_w, g_h)[d]
        ad = jnp.abs(df)
        s = s + jnp.sum(jnp.where(ad < 1.0, 0.5 * df * df, ad - 0.5) * posf)
    lp_ref[...] = s.reshape(1, 1, 1)
    np_ref[...] = jnp.sum(posf).astype(jnp.int32).reshape(1, 1, 1)


def _ce_body(x_ref, tgt_ref, out_ref):
    xt = x_ref[0].T
    e = jnp.exp(xt)
    s = jnp.sum(e, axis=0, keepdims=True)
    cls = jax.lax.broadcasted_iota(jnp.int32, xt.shape, 0)
    tgt = tgt_ref[0]
    eg = jnp.sum(jnp.where(cls == tgt, e, 0.0), axis=0, keepdims=True)
    out_ref[0] = s / eg


def _sel_body(ratio_ref, conf_ref, lp_ref, loc_out, conf_out):
    r = ratio_ref[...]
    ce = jnp.log(r)
    pos = conf_ref[...] > 0
    posf = pos.astype(jnp.float32)
    nposi = jnp.sum(pos.astype(jnp.int32), axis=1, keepdims=True)
    total = jnp.sum(nposi)
    k = jnp.minimum(_NEG_POS * nposi, _P - total - 1)
    cl = jnp.where(pos, 1.0, r)
    clb = jax.lax.bitcast_convert_type(cl, jnp.int32)
    lo = jnp.zeros((_B, 1), jnp.int32)
    for bit in range(30, -1, -1):
        cand = lo + (1 << bit)
        cnt = jnp.sum((clb >= cand).astype(jnp.int32), axis=1, keepdims=True)
        lo = jnp.where(cnt >= k, cand, lo)
    gt = clb > lo
    eq = clb == lo
    cnt_gt = jnp.sum(gt.astype(jnp.float32), axis=1, keepdims=True)
    sum_gt = jnp.sum(jnp.where(gt, ce, 0.0), axis=1, keepdims=True)
    cnt_eq = jnp.sum(eq.astype(jnp.float32), axis=1, keepdims=True)
    sum_eq = jnp.sum(jnp.where(eq, ce, 0.0), axis=1, keepdims=True)
    kf = k.astype(jnp.float32)
    neg_sum = sum_gt + (kf - cnt_gt) * sum_eq / jnp.maximum(cnt_eq, 1.0)
    pos_sum = jnp.sum(ce * posf)
    nm = jnp.sum(posf)
    loc_out[...] = (jnp.sum(lp_ref[...]) / nm).reshape(1, 1)
    conf_out[...] = ((pos_sum + jnp.sum(neg_sum)) / nm).reshape(1, 1)


def _sc_select_body(ratio_hbm, conf_hbm, npos_hbm, out_hbm, rv, cv, bwv, npv, outv):
    cid = lax.axis_index("c")
    sid = lax.axis_index("s")
    w = sid * 2 + cid
    pltpu.sync_copy(ratio_hbm.at[w], rv)
    pltpu.sync_copy(conf_hbm.at[w], cv)
    pltpu.sync_copy(npos_hbm, npv)

    lane = lax.broadcasted_iota(jnp.int32, (_L,), 0)
    n0 = npv[pl.ds(0, _L)]
    n1 = npv[pl.ds(_L, _L)]
    total = jnp.sum(n0) + jnp.sum(n1)
    myn = (jnp.sum(jnp.where(lane == w, n0, 0))
           + jnp.sum(jnp.where(lane == w - _L, n1, 0)))
    k = jnp.minimum(_NEG_POS * myn, _P - total - 1)

    def p1(i, c):
        r = rv[pl.ds(i * _L, _L)]
        cf = cv[pl.ds(i * _L, _L)]
        b = lax.bitcast_convert_type(r, jnp.int32)
        bwv[pl.ds(i * _L, _L)] = jnp.where(cf > 0, _ONEBITS, b)
        return c
    lax.fori_loop(0, _CH, p1, 0)

    def sbit(i, lo):
        cand = lo + (1 << (30 - i))
        def cbody(j, acc):
            bb = bwv[pl.ds(j * _L, _L)]
            return acc + jnp.where(bb >= cand, 1, 0)
        cnt = jnp.sum(lax.fori_loop(0, _CH, cbody, jnp.zeros((_L,), jnp.int32)))
        return jnp.where(cnt >= k, cand, lo)
    lo = lax.fori_loop(0, 31, sbit, jnp.int32(0))

    def fin(j, carry):
        sgt, cgt, seq, ceq, psum = carry
        r = rv[pl.ds(j * _L, _L)]
        cf = cv[pl.ds(j * _L, _L)]
        bb = bwv[pl.ds(j * _L, _L)]
        bi = lax.bitcast_convert_type(r, jnp.int32)
        ex = lax.shift_right_arithmetic(bi, 23) - 127
        m = lax.bitcast_convert_type((bi & 0x7FFFFF) | _ONEBITS, jnp.float32)
        p = _LC[0]
        for cco in _LC[1:]:
            p = p * m + cco
        ce = (ex.astype(jnp.float32) + p) * _LN2
        gt = bb > lo
        eq = bb == lo
        return (sgt + jnp.where(gt, ce, 0.0),
                cgt + jnp.where(gt, 1, 0),
                seq + jnp.where(eq, ce, 0.0),
                ceq + jnp.where(eq, 1, 0),
                psum + jnp.where(cf > 0, ce, 0.0))
    z = jnp.zeros((_L,), jnp.float32)
    zi = jnp.zeros((_L,), jnp.int32)
    sgt, cgt, seq, ceq, psum = lax.fori_loop(0, _CH, fin, (z, zi, z, zi, z))
    cnt_eq = jnp.maximum(jnp.sum(ceq), 1)
    scale = (k - jnp.sum(cgt)).astype(jnp.float32) * jnp.sum(seq)
    extra_v = (jnp.full((_L,), scale, jnp.float32)
               / jnp.full((_L,), cnt_eq.astype(jnp.float32), jnp.float32))
    base = jnp.sum(psum) + jnp.sum(sgt)
    outv[...] = jnp.full((_L,), base, jnp.float32) + extra_v
    pltpu.sync_copy(outv, out_hbm.at[w])


_sc_select = functools.partial(
    pl.kernel,
    mesh=plsc.VectorSubcoreMesh(core_axis_name="c", subcore_axis_name="s"),
    compiler_params=pltpu.CompilerParams(needs_layout_passes=False),
    out_type=jax.ShapeDtypeStruct((_B, _L), jnp.float32),
    scratch_types=[
        pltpu.VMEM((_PB,), jnp.float32),
        pltpu.VMEM((_PB,), jnp.int32),
        pltpu.VMEM((_PB,), jnp.int32),
        pltpu.VMEM((_B,), jnp.int32),
        pltpu.VMEM((_L,), jnp.float32),
    ],
)(_sc_select_body)


def _comb_body(lp_ref, np_ref, parts_ref, loc_out, conf_out):
    nm = jnp.sum(np_ref[...]).astype(jnp.float32)
    loc_out[...] = (jnp.sum(lp_ref[...]) / nm).reshape(1, 1)
    conf_out[...] = (jnp.sum(parts_ref[:, 0:1]) / nm).reshape(1, 1)


@jax.jit
def kernel(loc_preds, score_preds, gt_data, priors):
    pad = jnp.tile(jnp.array([[2.0, 2.0, 1.0, 1.0]], jnp.float32),
                   (_PB - _P, 1))
    pri2 = jnp.concatenate([priors, pad], axis=0).T
    locp_t = jnp.transpose(loc_preds, (0, 2, 1))
    locp2 = jnp.pad(locp_t, ((0, 0), (0, 0), (0, _PB - _P)))

    conf8, lp, npos = pl.pallas_call(
        _match_body,
        grid=(_B,),
        in_specs=[
            pl.BlockSpec((1, _O, 5), lambda b: (b, 0, 0)),
            pl.BlockSpec((4, _PB), lambda b: (0, 0)),
            pl.BlockSpec((1, 4, _PB), lambda b: (b, 0, 0)),
        ],
        out_specs=[
            pl.BlockSpec((1, 1, _PB), lambda b: (b, 0, 0)),
            pl.BlockSpec((1, 1, 1), lambda b: (b, 0, 0)),
            pl.BlockSpec((1, 1, 1), lambda b: (b, 0, 0)),
        ],
        out_shape=[
            jax.ShapeDtypeStruct((_B, 1, _PB), jnp.int32),
            jax.ShapeDtypeStruct((_B, 1, 1), jnp.float32),
            jax.ShapeDtypeStruct((_B, 1, 1), jnp.int32),
        ],
    )(gt_data, pri2, locp2)
    conf = conf8.reshape(_B, _PB)[:, :_P]

    nblk = pl.cdiv(_P, _CEW)
    ratio = pl.pallas_call(
        _ce_body,
        grid=(_B, nblk),
        in_specs=[
            pl.BlockSpec((1, _CEW, _C), lambda b, i: (b, i, 0)),
            pl.BlockSpec((1, 1, _CEW), lambda b, i: (b, 0, i)),
        ],
        out_specs=pl.BlockSpec((1, 1, _CEW), lambda b, i: (b, 0, i)),
        out_shape=jax.ShapeDtypeStruct((_B, 1, _P), jnp.float32),
    )(score_preds, conf.reshape(_B, 1, _P))

    ratio_pad = jnp.pad(ratio.reshape(_B, _P), ((0, 0), (0, _PB - _P)),
                        constant_values=1.0)
    parts = _sc_select(ratio_pad, conf8.reshape(_B, _PB),
                       npos.reshape(_B))
    loc_l, conf_l = pl.pallas_call(
        _comb_body,
        out_shape=[
            jax.ShapeDtypeStruct((1, 1), jnp.float32),
            jax.ShapeDtypeStruct((1, 1), jnp.float32),
        ],
    )(lp.reshape(_B, 1), npos.reshape(_B, 1), parts)
    return (loc_l[0, 0], conf_l[0, 0])

# --- scband reference (transcript-rebuilt; emitter-appended) ---
"""Pipeline reference for scband-multi-box-loss-3092376453531 (READ-ONLY COPY).

The authoritative reference and input builder live on the scoring server;
editing this copy changes nothing except your own understanding.
"""

import jax, jax.numpy as jnp
import numpy as np

NUM_CLASSES = 81
OVERLAP_THRESH = 0.5
NEG_POS_RATIO = 3
VARIANCE = (0.1, 0.2)
B, P, C, O = 32, 8732, 81, 12


def point_form(pr):
    return jnp.concatenate([pr[:, :2] - pr[:, 2:] / 2.0, pr[:, :2] + pr[:, 2:] / 2.0], axis=1)


def jaccard(box_a, box_b):
    max_xy = jnp.minimum(box_a[:, None, 2:], box_b[None, :, 2:])
    min_xy = jnp.maximum(box_a[:, None, :2], box_b[None, :, :2])
    inter = jnp.clip(max_xy - min_xy, 0.0, None)
    inter = inter[..., 0] * inter[..., 1]
    area_a = ((box_a[:, 2] - box_a[:, 0]) * (box_a[:, 3] - box_a[:, 1]))[:, None]
    area_b = ((box_b[:, 2] - box_b[:, 0]) * (box_b[:, 3] - box_b[:, 1]))[None, :]
    return inter / (area_a + area_b - inter)


def encode(matched, priors):
    g_cxcy = (matched[:, :2] + matched[:, 2:]) / 2.0 - priors[:, :2]
    g_cxcy = g_cxcy / (VARIANCE[0] * priors[:, 2:])
    g_wh = (matched[:, 2:] - matched[:, :2]) / priors[:, 2:]
    g_wh = jnp.log(g_wh) / VARIANCE[1]
    return jnp.concatenate([g_cxcy, g_wh], axis=1)


def match_one(truths, labels, priors):
    overlaps = jaccard(truths, point_form(priors))
    best_prior_idx = jnp.argmax(overlaps, axis=1)
    best_truth_overlap = jnp.max(overlaps, axis=0)
    best_truth_idx = jnp.argmax(overlaps, axis=0)
    best_truth_overlap = best_truth_overlap.at[best_prior_idx].set(2.0)
    best_truth_idx = best_truth_idx.at[best_prior_idx].set(jnp.arange(truths.shape[0]))
    matched = truths[best_truth_idx]
    conf = labels[best_truth_idx].astype(jnp.int32)
    conf = jnp.where(best_truth_overlap < OVERLAP_THRESH, 0, conf)
    loc = encode(matched, priors)
    return loc, conf


def forward(loc_preds, score_preds, gt_data, priors):
    truths = gt_data[..., :4]
    labels = gt_data[..., 4]
    loc_t, conf_t = jax.vmap(lambda t, l: match_one(t, l, priors))(truths, labels)
    pos = conf_t > 0
    num_matched = pos.sum().astype(jnp.float32)
    # localization loss: SmoothL1 (beta=1), sum over positive boxes
    diff = loc_preds - loc_t
    ad = jnp.abs(diff)
    sl1 = jnp.where(ad < 1.0, 0.5 * diff * diff, ad - 0.5)
    loc_loss = jnp.sum(sl1 * pos[..., None].astype(loc_preds.dtype))
    # manual cross entropy over ALL boxes (used only for hard negative mining)
    logits = score_preds.reshape(-1, NUM_CLASSES)
    tgt = conf_t.reshape(-1)
    xmax = jnp.max(jax.lax.stop_gradient(logits))
    gathered = jnp.take_along_axis(logits, tgt[:, None], axis=1)[:, 0]
    mining = jnp.log(jnp.sum(jnp.exp(logits - xmax), axis=1)) + xmax - gathered
    # hard negative mining via rank-of-sort trick
    cl = jnp.where(pos, 0.0, mining.reshape(pos.shape))
    idx = jnp.argsort(-cl, axis=1)
    rank = jnp.argsort(idx, axis=1)
    num_pos = pos.sum(axis=1)
    num_neg = jnp.minimum(NEG_POS_RATIO * num_pos, pos.shape[1] - num_pos.sum() - 1)
    neg = rank < num_neg[:, None]
    sel = (pos | neg).reshape(-1)
    # final confidence loss: CE summed over selected (pos + hard neg) boxes
    logz = jax.nn.logsumexp(logits, axis=1)
    ce = logz - gathered
    conf_loss = jnp.sum(ce * sel.astype(logits.dtype))
    return (loc_loss / num_matched, conf_loss / num_matched)


def setup_inputs(seed: int = 0):
    key = jax.random.key(seed)
    ks = jax.random.split(key, 7)
    loc_preds = 0.1 * jax.random.normal(ks[0], (B, P, 4), dtype=jnp.float32)
    score_preds = jax.random.normal(ks[1], (B, P, C), dtype=jnp.float32)
    # valid GT boxes in corner form with label (1..C-1) in last column
    ctr = jax.random.uniform(ks[2], (B, O, 2), minval=0.2, maxval=0.8)
    wh = jax.random.uniform(ks[3], (B, O, 2), minval=0.05, maxval=0.3)
    boxes = jnp.concatenate([ctr - wh / 2.0, ctr + wh / 2.0], axis=-1)
    labels = jax.random.randint(ks[4], (B, O), 1, C).astype(jnp.float32)
    gt_data = jnp.concatenate([boxes, labels[..., None]], axis=-1).astype(jnp.float32)
    # priors in center-size form (cx, cy, w, h) with positive w, h
    pctr = jax.random.uniform(ks[5], (P, 2), minval=0.0, maxval=1.0)
    pwh = jax.random.uniform(ks[6], (P, 2), minval=0.05, maxval=0.5)
    priors = jnp.concatenate([pctr, pwh], axis=1).astype(jnp.float32)
    return {"loc_preds": loc_preds, "score_preds": score_preds, "gt_data": gt_data, "priors": priors}


def reference(loc_preds, score_preds, gt_data, priors):
    return forward(loc_preds, score_preds, gt_data, priors)

if __name__ == "__main__":
    import jax
    _d = setup_inputs()
    print(jax.jit(kernel)(*tuple(_d.values())))

</pallas_src>

<mosaic_0001>
#map = affine_map<(d0, d1) -> (0, 0)>
#map1 = affine_map<(d0, d1) -> (0)>
module attributes {stable_mosaic.version = 14 : i64} {
  func.func @_sc_select_body(%arg0: i32, %arg1: i32, %arg2: memref<32x8736xf32, #tpu.memory_space<hbm>>, %arg3: memref<32x8736xi32, #tpu.memory_space<hbm>>, %arg4: memref<32xi32, #tpu.memory_space<hbm>>, %arg5: memref<32x16xf32, #tpu.memory_space<hbm>>, %arg6: memref<8736xf32, #tpu.memory_space<vmem>>, %arg7: memref<8736xi32, #tpu.memory_space<vmem>>, %arg8: memref<8736xi32, #tpu.memory_space<vmem>>, %arg9: memref<32xi32, #tpu.memory_space<vmem>>, %arg10: memref<16xf32, #tpu.memory_space<vmem>>) attributes {dimension_semantics = [#tpu.dimension_semantics<core_parallel>, #tpu.dimension_semantics<subcore_parallel>], iteration_bounds = array<i64: 2, 16>, scalar_prefetch = 0 : i64, scratch_operands = 5 : i64, tpu.core_type = #tpu.core_type<sc_vector_subcore>, window_params = [{transform_indices = #map}, {transform_indices = #map}, {transform_indices = #map1}, {transform_indices = #map}]} {
    %mul3A = arith.constant 2 : i32
    %mul3A_0 = arith.muli %arg1, %mul3A : i32
    %add3A = arith.addi %mul3A_0, %arg0 : i32
    "tpu.region"() ({
      %run_scoped3A = tpu.sem_alloc : memref<!tpu.dma_semaphore, #tpu.memory_space<semaphore_mem>>
      %dma_start3A = arith.constant 0 : i32
      %dma_start3A_86 = tpu.memref_slice %arg2[%add3A, %dma_start3A] : memref<32x8736xf32, #tpu.memory_space<hbm>> -> memref<1x8736xf32, #tpu.memory_space<hbm>>
      %dma_start3A_87 = tpu.memref_squeeze %dma_start3A_86 : memref<1x8736xf32, #tpu.memory_space<hbm>> -> memref<8736xf32, #tpu.memory_space<hbm>>
      %dma_start3A_88 = arith.constant 0 : i32
      %dma_start3A_89 = tpu.memref_slice %arg2[%add3A, %dma_start3A_88] : memref<32x8736xf32, #tpu.memory_space<hbm>> -> memref<1x8736xf32, #tpu.memory_space<hbm>>
      %dma_start3A_90 = tpu.memref_squeeze %dma_start3A_89 : memref<1x8736xf32, #tpu.memory_space<hbm>> -> memref<8736xf32, #tpu.memory_space<hbm>>
      tpu.enqueue_dma source(%dma_start3A_90 : memref<8736xf32, #tpu.memory_space<hbm>>) target(%arg6 : memref<8736xf32, #tpu.memory_space<vmem>>) target_semaphore(%run_scoped3A : memref<!tpu.dma_semaphore, #tpu.memory_space<semaphore_mem>>)
      %dma_wait3A = arith.constant 0 : i32
      %dma_wait3A_91 = tpu.memref_slice %arg2[%add3A, %dma_wait3A] : memref<32x8736xf32, #tpu.memory_space<hbm>> -> memref<1x8736xf32, #tpu.memory_space<hbm>>
      %dma_wait3A_92 = tpu.memref_squeeze %dma_wait3A_91 : memref<1x8736xf32, #tpu.memory_space<hbm>> -> memref<8736xf32, #tpu.memory_space<hbm>>
      %dma_wait3A_93 = arith.constant 0 : i32
      %dma_wait3A_94 = tpu.memref_slice %arg2[%add3A, %dma_wait3A_93] : memref<32x8736xf32, #tpu.memory_space<hbm>> -> memref<1x8736xf32, #tpu.memory_space<hbm>>
      %dma_wait3A_95 = tpu.memref_squeeze %dma_wait3A_94 : memref<1x8736xf32, #tpu.memory_space<hbm>> -> memref<8736xf32, #tpu.memory_space<hbm>>
      tpu.wait_dma2 semaphore(%run_scoped3A : memref<!tpu.dma_semaphore, #tpu.memory_space<semaphore_mem>>) src(%dma_wait3A_95 : memref<8736xf32, #tpu.memory_space<hbm>>) dst(%arg6 : memref<8736xf32, #tpu.memory_space<vmem>>)
      tpu.yield
    }) : () -> ()
    "tpu.region"() ({
      %run_scoped3A = tpu.sem_alloc : memref<!tpu.dma_semaphore, #tpu.memory_space<semaphore_mem>>
      %dma_start3A = arith.constant 0 : i32
      %dma_start3A_86 = tpu.memref_slice %arg3[%add3A, %dma_start3A] : memref<32x8736xi32, #tpu.memory_space<hbm>> -> memref<1x8736xi32, #tpu.memory_space<hbm>>
      %dma_start3A_87 = tpu.memref_squeeze %dma_start3A_86 : memref<1x8736xi32, #tpu.memory_space<hbm>> -> memref<8736xi32, #tpu.memory_space<hbm>>
      %dma_start3A_88 = arith.constant 0 : i32
      %dma_start3A_89 = tpu.memref_slice %arg3[%add3A, %dma_start3A_88] : memref<32x8736xi32, #tpu.memory_space<hbm>> -> memref<1x8736xi32, #tpu.memory_space<hbm>>
      %dma_start3A_90 = tpu.memref_squeeze %dma_start3A_89 : memref<1x8736xi32, #tpu.memory_space<hbm>> -> memref<8736xi32, #tpu.memory_space<hbm>>
      tpu.enqueue_dma source(%dma_start3A_90 : memref<8736xi32, #tpu.memory_space<hbm>>) target(%arg7 : memref<8736xi32, #tpu.memory_space<vmem>>) target_semaphore(%run_scoped3A : memref<!tpu.dma_semaphore, #tpu.memory_space<semaphore_mem>>)
      %dma_wait3A = arith.constant 0 : i32
      %dma_wait3A_91 = tpu.memref_slice %arg3[%add3A, %dma_wait3A] : memref<32x8736xi32, #tpu.memory_space<hbm>> -> memref<1x8736xi32, #tpu.memory_space<hbm>>
      %dma_wait3A_92 = tpu.memref_squeeze %dma_wait3A_91 : memref<1x8736xi32, #tpu.memory_space<hbm>> -> memref<8736xi32, #tpu.memory_space<hbm>>
      %dma_wait3A_93 = arith.constant 0 : i32
      %dma_wait3A_94 = tpu.memref_slice %arg3[%add3A, %dma_wait3A_93] : memref<32x8736xi32, #tpu.memory_space<hbm>> -> memref<1x8736xi32, #tpu.memory_space<hbm>>
      %dma_wait3A_95 = tpu.memref_squeeze %dma_wait3A_94 : memref<1x8736xi32, #tpu.memory_space<hbm>> -> memref<8736xi32, #tpu.memory_space<hbm>>
      tpu.wait_dma2 semaphore(%run_scoped3A : memref<!tpu.dma_semaphore, #tpu.memory_space<semaphore_mem>>) src(%dma_wait3A_95 : memref<8736xi32, #tpu.memory_space<hbm>>) dst(%arg7 : memref<8736xi32, #tpu.memory_space<vmem>>)
      tpu.yield
    }) : () -> ()
    "tpu.region"() ({
      %run_scoped3A = tpu.sem_alloc : memref<!tpu.dma_semaphore, #tpu.memory_space<semaphore_mem>>
      tpu.enqueue_dma source(%arg4 : memref<32xi32, #tpu.memory_space<hbm>>) target(%arg9 : memref<32xi32, #tpu.memory_space<vmem>>) target_semaphore(%run_scoped3A : memref<!tpu.dma_semaphore, #tpu.memory_space<semaphore_mem>>)
      tpu.wait_dma2 semaphore(%run_scoped3A : memref<!tpu.dma_semaphore, #tpu.memory_space<semaphore_mem>>) src(%arg4 : memref<32xi32, #tpu.memory_space<hbm>>) dst(%arg9 : memref<32xi32, #tpu.memory_space<vmem>>)
      tpu.yield
    }) : () -> ()
    %iota3A = tpu.iota {dimensions = array<i32: 0>} : vector<16xi32>
    %get3A = arith.constant 0 : index
    %get3A_1 = tpu.vector_load %arg9[%get3A] {strides = array<i32>} : memref<32xi32, #tpu.memory_space<vmem>>, vector<16xi32>,
    %get3A_2 = arith.constant 16 : index
    %get3A_3 = tpu.vector_load %arg9[%get3A_2] {strides = array<i32>} : memref<32xi32, #tpu.memory_space<vmem>>, vector<16xi32>,
    %reduce_sum3A = arith.constant true
    %reduce_sum3A_4 = vector.broadcast %reduce_sum3A : i1 to vector<16xi1>
    %reduce_sum3A_5 = tpu.scan <sum>, %get3A_1 masked %reduce_sum3A_4 : vector<16xi32>, vector<16xi1> -> vector<16xi32>
    %reduce_sum3A_6 = vector.extract %reduce_sum3A_5[15] : i32 from vector<16xi32>
    %reduce_sum3A_7 = arith.constant true
    %reduce_sum3A_8 = vector.broadcast %reduce_sum3A_7 : i1 to vector<16xi1>
    %reduce_sum3A_9 = tpu.scan <sum>, %get3A_3 masked %reduce_sum3A_8 : vector<16xi32>, vector<16xi1> -> vector<16xi32>
    %reduce_sum3A_10 = vector.extract %reduce_sum3A_9[15] : i32 from vector<16xi32>
    %add3A_11 = arith.addi %reduce_sum3A_6, %reduce_sum3A_10 : i32
    %eq3A = vector.broadcast %add3A : i32 to vector<16xi32>
    %eq3A_12 = arith.cmpi eq, %iota3A, %eq3A : vector<16xi32>
    %jit3A = arith.constant 0 : i32
    %broadcast_in_dim3A = vector.broadcast %jit3A : i32 to vector<16xi32>
    %select_n3A = arith.select %eq3A_12, %get3A_1, %broadcast_in_dim3A : vector<16xi1>, vector<16xi32>
    %reduce_sum3A_13 = arith.constant true
    %reduce_sum3A_14 = vector.broadcast %reduce_sum3A_13 : i1 to vector<16xi1>
    %reduce_sum3A_15 = tpu.scan <sum>, %select_n3A masked %reduce_sum3A_14 : vector<16xi32>, vector<16xi1> -> vector<16xi32>
    %reduce_sum3A_16 = vector.extract %reduce_sum3A_15[15] : i32 from vector<16xi32>
    %sub3A = arith.constant 16 : i32
    %sub3A_17 = arith.subi %add3A, %sub3A : i32
    %eq3A_18 = vector.broadcast %sub3A_17 : i32 to vector<16xi32>
    %eq3A_19 = arith.cmpi eq, %iota3A, %eq3A_18 : vector<16xi32>
    %jit3A_20 = arith.constant 0 : i32
    %broadcast_in_dim3A_21 = vector.broadcast %jit3A_20 : i32 to vector<16xi32>
    %select_n3A_22 = arith.select %eq3A_19, %get3A_3, %broadcast_in_dim3A_21 : vector<16xi1>, vector<16xi32>
    %reduce_sum3A_23 = arith.constant true
    %reduce_sum3A_24 = vector.broadcast %reduce_sum3A_23 : i1 to vector<16xi1>
    %reduce_sum3A_25 = tpu.scan <sum>, %select_n3A_22 masked %reduce_sum3A_24 : vector<16xi32>, vector<16xi1> -> vector<16xi32>
    %reduce_sum3A_26 = vector.extract %reduce_sum3A_25[15] : i32 from vector<16xi32>
    %add3A_27 = arith.addi %reduce_sum3A_16, %reduce_sum3A_26 : i32
    %mul3A_28 = arith.constant 3 : i32
    %mul3A_29 = arith.muli %mul3A_28, %add3A_27 : i32
    %sub3A_30 = arith.constant 8732 : i32
    %sub3A_31 = arith.subi %sub3A_30, %add3A_11 : i32
    %sub3A_32 = arith.constant 1 : i32
    %sub3A_33 = arith.subi %sub3A_31, %sub3A_32 : i32
    %min3A = arith.minsi %mul3A_29, %sub3A_33 : i32
    %scan3A = arith.constant 0 : i32
    %scan3A_34 = arith.constant 0 : i32
    %scan3A_35 = arith.constant 546 : i32
    %scan3A_36 = arith.addi %scan3A_34, %scan3A_35 : i32
    %scan3A_37 = arith.constant 1 : i32
    scf.for %scan3A_86 = %scan3A_34 to %scan3A_36 step %scan3A_37  : i32 {
      %mul3A_87 = arith.constant 16 : i32
      %mul3A_88 = arith.muli %scan3A_86, %mul3A_87 : i32
      %get3A_89 = arith.index_cast %mul3A_88 : i32 to index
      %get3A_90 = tpu.vector_load %arg6[%get3A_89] {strides = array<i32>} : memref<8736xf32, #tpu.memory_space<vmem>>, vector<16xf32>,
      %mul3A_91 = arith.constant 16 : i32
      %mul3A_92 = arith.muli %scan3A_86, %mul3A_91 : i32
      %get3A_93 = arith.index_cast %mul3A_92 : i32 to index
      %get3A_94 = tpu.vector_load %arg7[%get3A_93] {strides = array<i32>} : memref<8736xi32, #tpu.memory_space<vmem>>, vector<16xi32>,
      %bitcast_convert_type3A = tpu.bitcast %get3A_90 : vector<16xf32> -> vector<16xi32>
      %gt3A = arith.constant 0 : i32
      %gt3A_95 = vector.broadcast %gt3A : i32 to vector<16xi32>
      %gt3A_96 = arith.cmpi sgt, %get3A_94, %gt3A_95 : vector<16xi32>
      %jit3A_97 = arith.constant 1065353216 : i32
      %broadcast_in_dim3A_98 = vector.broadcast %jit3A_97 : i32 to vector<16xi32>
      %select_n3A_99 = arith.select %gt3A_96, %broadcast_in_dim3A_98, %bitcast_convert_type3A : vector<16xi1>, vector<16xi32>
      %mul3A_100 = arith.constant 16 : i32
      %mul3A_101 = arith.muli %scan3A_86, %mul3A_100 : i32
      %swap3A_102 = arith.index_cast %mul3A_101 : i32 to index
      %swap3A_103 = tpu.vector_load %arg8[%swap3A_102] {strides = array<i32>} : memref<8736xi32, #tpu.memory_space<vmem>>, vector<16xi32>,
      tpu.vector_store %arg8[%swap3A_102], %select_n3A_99 {strides = array<i32>} : memref<8736xi32, #tpu.memory_space<vmem>>, vector<16xi32>,
    }
    %scan3A_38 = arith.constant 546 : i32
    %scan3A_39 = arith.constant 0 : i32
    %scan3A_40 = arith.constant 0 : i32
    %scan3A_41 = arith.constant 31 : i32
    %scan3A_42 = arith.addi %scan3A_40, %scan3A_41 : i32
    %scan3A_43 = arith.constant 1 : i32
    %scan3A_44 = scf.for %scan3A_86 = %scan3A_40 to %scan3A_42 step %scan3A_43 iter_args(%scan3A_87 = %scan3A_39) -> (i32)  : i32 {
      %sub3A_88 = arith.constant 30 : i32
      %sub3A_89 = arith.subi %sub3A_88, %scan3A_86 : i32
      %shift_left3A = arith.constant 1 : i32
      %shift_left3A_90 = arith.shli %shift_left3A, %sub3A_89 : i32
      %add3A_91 = arith.addi %scan3A_87, %shift_left3A_90 : i32
      %broadcast_in_dim3A_92 = arith.constant 0 : i32
      %broadcast_in_dim3A_93 = vector.broadcast %broadcast_in_dim3A_92 : i32 to vector<16xi32>
      %scan3A_94 = arith.constant 0 : i32
      %scan3A_95 = arith.constant 546 : i32
      %scan3A_96 = arith.addi %scan3A_94, %scan3A_95 : i32
      %scan3A_97 = arith.constant 1 : i32
      %scan3A_98 = scf.for %scan3A_105 = %scan3A_94 to %scan3A_96 step %scan3A_97 iter_args(%scan3A_106 = %broadcast_in_dim3A_93) -> (vector<16xi32>)  : i32 {
        %mul3A_107 = arith.constant 16 : i32
        %mul3A_108 = arith.muli %scan3A_105, %mul3A_107 : i32
        %get3A_109 = arith.index_cast %mul3A_108 : i32 to index
        %get3A_110 = tpu.vector_load %arg8[%get3A_109] {strides = array<i32>} : memref<8736xi32, #tpu.memory_space<vmem>>, vector<16xi32>,
        %ge3A_111 = vector.broadcast %add3A_91 : i32 to vector<16xi32>
        %ge3A_112 = arith.cmpi sge, %get3A_110, %ge3A_111 : vector<16xi32>
        %jit3A_113 = arith.constant 1 : i32
        %jit3A_114 = arith.constant 0 : i32
        %broadcast_in_dim3A_115 = vector.broadcast %jit3A_113 : i32 to vector<16xi32>
        %broadcast_in_dim3A_116 = vector.broadcast %jit3A_114 : i32 to vector<16xi32>
        %select_n3A_117 = arith.select %ge3A_112, %broadcast_in_dim3A_115, %broadcast_in_dim3A_116 : vector<16xi1>, vector<16xi32>
        %add3A_118 = arith.addi %scan3A_106, %select_n3A_117 : vector<16xi32>
        scf.yield %add3A_118 : vector<16xi32>
      }
      %scan3A_99 = arith.constant 546 : i32
      %reduce_sum3A_100 = arith.constant true
      %reduce_sum3A_101 = vector.broadcast %reduce_sum3A_100 : i1 to vector<16xi1>
      %reduce_sum3A_102 = tpu.scan <sum>, %scan3A_98 masked %reduce_sum3A_101 : vector<16xi32>, vector<16xi1> -> vector<16xi32>
      %reduce_sum3A_103 = vector.extract %reduce_sum3A_102[15] : i32 from vector<16xi32>
      %ge3A = arith.cmpi sge, %reduce_sum3A_103, %min3A : i32
      %select_n3A_104 = arith.select %ge3A, %add3A_91, %scan3A_87 : i32
      scf.yield %select_n3A_104 : i32
    }
    %scan3A_45 = arith.constant 31 : i32
    %broadcast_in_dim3A_46 = arith.constant 0.000000e+00 : f32
    %broadcast_in_dim3A_47 = vector.broadcast %broadcast_in_dim3A_46 : f32 to vector<16xf32>
    %broadcast_in_dim3A_48 = arith.constant 0 : i32
    %broadcast_in_dim3A_49 = vector.broadcast %broadcast_in_dim3A_48 : i32 to vector<16xi32>
    %scan3A_50 = arith.constant 0 : i32
    %scan3A_51 = arith.constant 546 : i32
    %scan3A_52 = arith.addi %scan3A_50, %scan3A_51 : i32
    %scan3A_53 = arith.constant 1 : i32
    %scan3A_54:5 = scf.for %scan3A_86 = %scan3A_50 to %scan3A_52 step %scan3A_53 iter_args(%scan3A_87 = %broadcast_in_dim3A_47, %scan3A_88 = %broadcast_in_dim3A_49, %scan3A_89 = %broadcast_in_dim3A_47, %scan3A_90 = %broadcast_in_dim3A_49, %scan3A_91 = %broadcast_in_dim3A_47) -> (vector<16xf32>, vector<16xi32>, vector<16xf32>, vector<16xi32>, vector<16xf32>)  : i32 {
      %mul3A_92 = arith.constant 16 : i32
      %mul3A_93 = arith.muli %scan3A_86, %mul3A_92 : i32
      %get3A_94 = arith.index_cast %mul3A_93 : i32 to index
      %get3A_95 = tpu.vector_load %arg6[%get3A_94] {strides = array<i32>} : memref<8736xf32, #tpu.memory_space<vmem>>, vector<16xf32>,
      %mul3A_96 = arith.constant 16 : i32
      %mul3A_97 = arith.muli %scan3A_86, %mul3A_96 : i32
      %get3A_98 = arith.index_cast %mul3A_97 : i32 to index
      %get3A_99 = tpu.vector_load %arg7[%get3A_98] {strides = array<i32>} : memref<8736xi32, #tpu.memory_space<vmem>>, vector<16xi32>,
      %mul3A_100 = arith.constant 16 : i32
      %mul3A_101 = arith.muli %scan3A_86, %mul3A_100 : i32
      %get3A_102 = arith.index_cast %mul3A_101 : i32 to index
      %get3A_103 = tpu.vector_load %arg8[%get3A_102] {strides = array<i32>} : memref<8736xi32, #tpu.memory_space<vmem>>, vector<16xi32>,
      %bitcast_convert_type3A = tpu.bitcast %get3A_95 : vector<16xf32> -> vector<16xi32>
      %shift_right_arithmetic3A = arith.constant 23 : i32
      %shift_right_arithmetic3A_104 = vector.broadcast %shift_right_arithmetic3A : i32 to vector<16xi32>
      %shift_right_arithmetic3A_105 = arith.shrsi %bitcast_convert_type3A, %shift_right_arithmetic3A_104 : vector<16xi32>
      %sub3A_106 = arith.constant 127 : i32
      %sub3A_107 = vector.broadcast %sub3A_106 : i32 to vector<16xi32>
      %sub3A_108 = arith.subi %shift_right_arithmetic3A_105, %sub3A_107 : vector<16xi32>
      %and3A = arith.constant 8388607 : i32
      %and3A_109 = vector.broadcast %and3A : i32 to vector<16xi32>
      %and3A_110 = arith.andi %bitcast_convert_type3A, %and3A_109 : vector<16xi32>
      %or3A = arith.constant 1065353216 : i32
      %or3A_111 = vector.broadcast %or3A : i32 to vector<16xi32>
      %or3A_112 = arith.ori %and3A_110, %or3A_111 : vector<16xi32>
      %bitcast_convert_type3A_113 = tpu.bitcast %or3A_112 : vector<16xi32> -> vector<16xf32>
      %mul3A_114 = arith.constant 0.043432124 : f32
      %mul3A_115 = vector.broadcast %mul3A_114 : f32 to vector<16xf32>
      %mul3A_116 = arith.mulf %mul3A_115, %bitcast_convert_type3A_113 : vector<16xf32>
      %add3A_117 = arith.constant -0.404890567 : f32
      %add3A_118 = vector.broadcast %add3A_117 : f32 to vector<16xf32>
      %add3A_119 = arith.addf %mul3A_116, %add3A_118 : vector<16xf32>
      %mul3A_120 = arith.mulf %add3A_119, %bitcast_convert_type3A_113 : vector<16xf32>
      %add3A_121 = arith.constant 1.59396863 : f32
      %add3A_122 = vector.broadcast %add3A_121 : f32 to vector<16xf32>
      %add3A_123 = arith.addf %mul3A_120, %add3A_122 : vector<16xf32>
      %mul3A_124 = arith.mulf %add3A_123, %bitcast_convert_type3A_113 : vector<16xf32>
      %add3A_125 = arith.constant -3.49258971 : f32
      %add3A_126 = vector.broadcast %add3A_125 : f32 to vector<16xf32>
      %add3A_127 = arith.addf %mul3A_124, %add3A_126 : vector<16xf32>
      %mul3A_128 = arith.mulf %add3A_127, %bitcast_convert_type3A_113 : vector<16xf32>
      %add3A_129 = arith.constant 5.04694319 : f32
      %add3A_130 = vector.broadcast %add3A_129 : f32 to vector<16xf32>
      %add3A_131 = arith.addf %mul3A_128, %add3A_130 : vector<16xf32>
      %mul3A_132 = arith.mulf %add3A_131, %bitcast_convert_type3A_113 : vector<16xf32>
      %add3A_133 = arith.constant -2.78683162 : f32
      %add3A_134 = vector.broadcast %add3A_133 : f32 to vector<16xf32>
      %add3A_135 = arith.addf %mul3A_132, %add3A_134 : vector<16xf32>
      %convert_element_type3A_136 = arith.sitofp %sub3A_108 : vector<16xi32> to vector<16xf32>
      %add3A_137 = arith.addf %convert_element_type3A_136, %add3A_135 : vector<16xf32>
      %mul3A_138 = arith.constant 0.693147182 : f32
      %mul3A_139 = vector.broadcast %mul3A_138 : f32 to vector<16xf32>
      %mul3A_140 = arith.mulf %add3A_137, %mul3A_139 : vector<16xf32>
      %gt3A = vector.broadcast %scan3A_44 : i32 to vector<16xi32>
      %gt3A_141 = arith.cmpi sgt, %get3A_103, %gt3A : vector<16xi32>
      %eq3A_142 = vector.broadcast %scan3A_44 : i32 to vector<16xi32>
      %eq3A_143 = arith.cmpi eq, %get3A_103, %eq3A_142 : vector<16xi32>
      %jit3A_144 = arith.constant 0.000000e+00 : f32
      %broadcast_in_dim3A_145 = vector.broadcast %jit3A_144 : f32 to vector<16xf32>
      %select_n3A_146 = arith.select %gt3A_141, %mul3A_140, %broadcast_in_dim3A_145 : vector<16xi1>, vector<16xf32>
      %add3A_147 = arith.addf %scan3A_87, %select_n3A_146 : vector<16xf32>
      %jit3A_148 = arith.constant 1 : i32
      %jit3A_149 = arith.constant 0 : i32
      %broadcast_in_dim3A_150 = vector.broadcast %jit3A_148 : i32 to vector<16xi32>
      %broadcast_in_dim3A_151 = vector.broadcast %jit3A_149 : i32 to vector<16xi32>
      %select_n3A_152 = arith.select %gt3A_141, %broadcast_in_dim3A_150, %broadcast_in_dim3A_151 : vector<16xi1>, vector<16xi32>
      %add3A_153 = arith.addi %scan3A_88, %select_n3A_152 : vector<16xi32>
      %jit3A_154 = arith.constant 0.000000e+00 : f32
      %broadcast_in_dim3A_155 = vector.broadcast %jit3A_154 : f32 to vector<16xf32>
      %select_n3A_156 = arith.select %eq3A_143, %mul3A_140, %broadcast_in_dim3A_155 : vector<16xi1>, vector<16xf32>
      %add3A_157 = arith.addf %scan3A_89, %select_n3A_156 : vector<16xf32>
      %jit3A_158 = arith.constant 1 : i32
      %jit3A_159 = arith.constant 0 : i32
      %broadcast_in_dim3A_160 = vector.broadcast %jit3A_158 : i32 to vector<16xi32>
      %broadcast_in_dim3A_161 = vector.broadcast %jit3A_159 : i32 to vector<16xi32>
      %select_n3A_162 = arith.select %eq3A_143, %broadcast_in_dim3A_160, %broadcast_in_dim3A_161 : vector<16xi1>, vector<16xi32>
      %add3A_163 = arith.addi %scan3A_90, %select_n3A_162 : vector<16xi32>
      %gt3A_164 = arith.constant 0 : i32
      %gt3A_165 = vector.broadcast %gt3A_164 : i32 to vector<16xi32>
      %gt3A_166 = arith.cmpi sgt, %get3A_99, %gt3A_165 : vector<16xi32>
      %jit3A_167 = arith.constant 0.000000e+00 : f32
      %broadcast_in_dim3A_168 = vector.broadcast %jit3A_167 : f32 to vector<16xf32>
      %select_n3A_169 = arith.select %gt3A_166, %mul3A_140, %broadcast_in_dim3A_168 : vector<16xi1>, vector<16xf32>
      %add3A_170 = arith.addf %scan3A_91, %select_n3A_169 : vector<16xf32>
      scf.yield %add3A_147, %add3A_153, %add3A_157, %add3A_163, %add3A_170 : vector<16xf32>, vector<16xi32>, vector<16xf32>, vector<16xi32>, vector<16xf32>
    }
    %scan3A_55 = arith.constant 546 : i32
    %reduce_sum3A_56 = arith.constant true
    %reduce_sum3A_57 = vector.broadcast %reduce_sum3A_56 : i1 to vector<16xi1>
    %reduce_sum3A_58 = tpu.scan <sum>, %scan3A_54#3 masked %reduce_sum3A_57 : vector<16xi32>, vector<16xi1> -> vector<16xi32>
    %reduce_sum3A_59 = vector.extract %reduce_sum3A_58[15] : i32 from vector<16xi32>
    %max3A = arith.constant 1 : i32
    %max3A_60 = arith.maxsi %reduce_sum3A_59, %max3A : i32
    %reduce_sum3A_61 = arith.constant true
    %reduce_sum3A_62 = vector.broadcast %reduce_sum3A_61 : i1 to vector<16xi1>
    %reduce_sum3A_63 = tpu.scan <sum>, %scan3A_54#1 masked %reduce_sum3A_62 : vector<16xi32>, vector<16xi1> -> vector<16xi32>
    %reduce_sum3A_64 = vector.extract %reduce_sum3A_63[15] : i32 from vector<16xi32>
    %sub3A_65 = arith.subi %min3A, %reduce_sum3A_64 : i32
    %convert_element_type3A = arith.sitofp %sub3A_65 : i32 to f32
    %reduce_sum3A_66 = arith.constant true
    %reduce_sum3A_67 = vector.broadcast %reduce_sum3A_66 : i1 to vector<16xi1>
    %reduce_sum3A_68 = tpu.scan <sum>, %scan3A_54#2 masked %reduce_sum3A_67 : vector<16xf32>, vector<16xi1> -> vector<16xf32>
    %reduce_sum3A_69 = vector.extract %reduce_sum3A_68[15] : f32 from vector<16xf32>
    %mul3A_70 = arith.mulf %convert_element_type3A, %reduce_sum3A_69 : f32
    %broadcast_in_dim3A_71 = vector.broadcast %mul3A_70 : f32 to vector<16xf32>
    %convert_element_type3A_72 = arith.sitofp %max3A_60 : i32 to f32
    %broadcast_in_dim3A_73 = vector.broadcast %convert_element_type3A_72 : f32 to vector<16xf32>
    %div3A = arith.divf %broadcast_in_dim3A_71, %broadcast_in_dim3A_73 : vector<16xf32>
    %reduce_sum3A_74 = arith.constant true
    %reduce_sum3A_75 = vector.broadcast %reduce_sum3A_74 : i1 to vector<16xi1>
    %reduce_sum3A_76 = tpu.scan <sum>, %scan3A_54#4 masked %reduce_sum3A_75 : vector<16xf32>, vector<16xi1> -> vector<16xf32>
    %reduce_sum3A_77 = vector.extract %reduce_sum3A_76[15] : f32 from vector<16xf32>
    %reduce_sum3A_78 = arith.constant true
    %reduce_sum3A_79 = vector.broadcast %reduce_sum3A_78 : i1 to vector<16xi1>
    %reduce_sum3A_80 = tpu.scan <sum>, %scan3A_54#0 masked %reduce_sum3A_79 : vector<16xf32>, vector<16xi1> -> vector<16xf32>
    %reduce_sum3A_81 = vector.extract %reduce_sum3A_80[15] : f32 from vector<16xf32>
    %add3A_82 = arith.addf %reduce_sum3A_77, %reduce_sum3A_81 : f32
    %broadcast_in_dim3A_83 = vector.broadcast %add3A_82 : f32 to vector<16xf32>
    %add3A_84 = arith.addf %broadcast_in_dim3A_83, %div3A : vector<16xf32>
    %swap3A = arith.constant 0 : index
    %swap3A_85 = tpu.vector_load %arg10[%swap3A] {strides = array<i32>} : memref<16xf32, #tpu.memory_space<vmem>>, vector<16xf32>,
    tpu.vector_store %arg10[%swap3A], %add3A_84 {strides = array<i32>} : memref<16xf32, #tpu.memory_space<vmem>>, vector<16xf32>,
    "tpu.region"() ({
      %run_scoped3A = tpu.sem_alloc : memref<!tpu.dma_semaphore, #tpu.memory_space<semaphore_mem>>
      %dma_start3A = arith.constant 0 : i32
      %dma_start3A_86 = tpu.memref_slice %arg5[%add3A, %dma_start3A] : memref<32x16xf32, #tpu.memory_space<hbm>> -> memref<1x16xf32, #tpu.memory_space<hbm>>
      %dma_start3A_87 = tpu.memref_squeeze %dma_start3A_86 : memref<1x16xf32, #tpu.memory_space<hbm>> -> memref<16xf32, #tpu.memory_space<hbm>>
      %dma_start3A_88 = arith.constant 0 : i32
      %dma_start3A_89 = tpu.memref_slice %arg5[%add3A, %dma_start3A_88] : memref<32x16xf32, #tpu.memory_space<hbm>> -> memref<1x16xf32, #tpu.memory_space<hbm>>
      %dma_start3A_90 = tpu.memref_squeeze %dma_start3A_89 : memref<1x16xf32, #tpu.memory_space<hbm>> -> memref<16xf32, #tpu.memory_space<hbm>>
      tpu.enqueue_dma source(%arg10 : memref<16xf32, #tpu.memory_space<vmem>>) target(%dma_start3A_90 : memref<16xf32, #tpu.memory_space<hbm>>) target_semaphore(%run_scoped3A : memref<!tpu.dma_semaphore, #tpu.memory_space<semaphore_mem>>)
      %dma_wait3A = arith.constant 0 : i32
      %dma_wait3A_91 = tpu.memref_slice %arg5[%add3A, %dma_wait3A] : memref<32x16xf32, #tpu.memory_space<hbm>> -> memref<1x16xf32, #tpu.memory_space<hbm>>
      %dma_wait3A_92 = tpu.memref_squeeze %dma_wait3A_91 : memref<1x16xf32, #tpu.memory_space<hbm>> -> memref<16xf32, #tpu.memory_space<hbm>>
      %dma_wait3A_93 = arith.constant 0 : i32
      %dma_wait3A_94 = tpu.memref_slice %arg5[%add3A, %dma_wait3A_93] : memref<32x16xf32, #tpu.memory_space<hbm>> -> memref<1x16xf32, #tpu.memory_space<hbm>>
      %dma_wait3A_95 = tpu.memref_squeeze %dma_wait3A_94 : memref<1x16xf32, #tpu.memory_space<hbm>> -> memref<16xf32, #tpu.memory_space<hbm>>
      tpu.wait_dma2 semaphore(%run_scoped3A : memref<!tpu.dma_semaphore, #tpu.memory_space<semaphore_mem>>) src(%arg10 : memref<16xf32, #tpu.memory_space<vmem>>) dst(%dma_wait3A_95 : memref<16xf32, #tpu.memory_space<hbm>>)
      tpu.yield
    }) : () -> ()
    return
  }
}

module attributes {stable_mosaic.version = 14 : i64} {
  func.func @_match_body(%arg0: i32, %arg1: memref<1x12x5xf32, #tpu.memory_space<vmem>>, %arg2: memref<4x8736xf32, #tpu.memory_space<vmem>>, %arg3: memref<1x4x8736xf32, #tpu.memory_space<vmem>>, %arg4: memref<1x1x8736xi32, #tpu.memory_space<vmem>>, %arg5: memref<1x1x1xf32, #tpu.memory_space<vmem>>, %arg6: memref<1x1x1xi32, #tpu.memory_space<vmem>>) attributes {dimension_semantics = [#tpu.dimension_semantics<arbitrary>], iteration_bounds = array<i64: 32>, scalar_prefetch = 0 : i64, scratch_operands = 0 : i64, tpu.core_type = #tpu.core_type<tc>, window_params = [{transform_indices = @transform_0, window_bounds = array<i64: 1, 12, 5>}, {pipeline_mode = #tpu.pipeline_mode<synchronous>, transform_indices = @transform_1, window_bounds = array<i64: 4, 8736>}, {transform_indices = @transform_2, window_bounds = array<i64: 1, 4, 8736>}, {transform_indices = @transform_3, window_bounds = array<i64: 1, 1, 8736>}, {transform_indices = @transform_4, window_bounds = array<i64: 1, 1, 1>}, {transform_indices = @transform_5, window_bounds = array<i64: 1, 1, 1>}]} {
    %get3A = arith.constant 0 : index
    %get3A_0 = arith.constant 0 : index
    %get3A_1 = vector.load %arg2[%get3A, %get3A_0] : memref<4x8736xf32, #tpu.memory_space<vmem>>, vector<1x8736xf32>
    %get3A_2 = arith.constant 1 : index
    %get3A_3 = arith.constant 0 : index
    %get3A_4 = vector.load %arg2[%get3A_2, %get3A_3] : memref<4x8736xf32, #tpu.memory_space<vmem>>, vector<1x8736xf32>
    %get3A_5 = arith.constant 2 : index
    %get3A_6 = arith.constant 0 : index
    %get3A_7 = vector.load %arg2[%get3A_5, %get3A_6] : memref<4x8736xf32, #tpu.memory_space<vmem>>, vector<1x8736xf32>
    %get3A_8 = arith.constant 3 : index
    %get3A_9 = arith.constant 0 : index
    %get3A_10 = vector.load %arg2[%get3A_8, %get3A_9] : memref<4x8736xf32, #tpu.memory_space<vmem>>, vector<1x8736xf32>
    %mul3A = arith.constant 5.000000e-01 : f32
    %mul3A_11 = vector.broadcast %mul3A : f32 to vector<1x8736xf32>
    %mul3A_12 = arith.mulf %get3A_7, %mul3A_11 : vector<1x8736xf32>
    %sub3A = arith.subf %get3A_1, %mul3A_12 : vector<1x8736xf32>
    %mul3A_13 = arith.constant 5.000000e-01 : f32
    %mul3A_14 = vector.broadcast %mul3A_13 : f32 to vector<1x8736xf32>
    %mul3A_15 = arith.mulf %get3A_10, %mul3A_14 : vector<1x8736xf32>
    %sub3A_16 = arith.subf %get3A_4, %mul3A_15 : vector<1x8736xf32>
    %mul3A_17 = arith.constant 5.000000e-01 : f32
    %mul3A_18 = vector.broadcast %mul3A_17 : f32 to vector<1x8736xf32>
    %mul3A_19 = arith.mulf %get3A_7, %mul3A_18 : vector<1x8736xf32>
    %add3A = arith.addf %get3A_1, %mul3A_19 : vector<1x8736xf32>
    %mul3A_20 = arith.constant 5.000000e-01 : f32
    %mul3A_21 = vector.broadcast %mul3A_20 : f32 to vector<1x8736xf32>
    %mul3A_22 = arith.mulf %get3A_10, %mul3A_21 : vector<1x8736xf32>
    %add3A_23 = arith.addf %get3A_4, %mul3A_22 : vector<1x8736xf32>
    %sub3A_24 = arith.subf %add3A, %sub3A : vector<1x8736xf32>
    %sub3A_25 = arith.subf %add3A_23, %sub3A_16 : vector<1x8736xf32>
    %mul3A_26 = arith.mulf %sub3A_24, %sub3A_25 : vector<1x8736xf32>
    %get3A_27 = arith.constant 0 : index
    %get3A_28 = arith.constant 0 : index
    %get3A_29 = arith.constant 0 : index
    %get3A_30 = vector.load %arg1[%get3A_27, %get3A_28, %get3A_29] : memref<1x12x5xf32, #tpu.memory_space<vmem>>, vector<1x12x5xf32>
    %get3A_31 = vector.shape_cast %get3A_30 : vector<1x12x5xf32> to vector<12x5xf32>
    %slice3A = vector.extract_strided_slice %get3A_31 {offsets = [0, 0], sizes = [12, 1], strides = [1, 1]} : vector<12x5xf32> to vector<12x1xf32>
    %slice3A_32 = vector.extract_strided_slice %get3A_31 {offsets = [0, 1], sizes = [12, 1], strides = [1, 1]} : vector<12x5xf32> to vector<12x1xf32>
    %slice3A_33 = vector.extract_strided_slice %get3A_31 {offsets = [0, 2], sizes = [12, 1], strides = [1, 1]} : vector<12x5xf32> to vector<12x1xf32>
    %slice3A_34 = vector.extract_strided_slice %get3A_31 {offsets = [0, 3], sizes = [12, 1], strides = [1, 1]} : vector<12x5xf32> to vector<12x1xf32>
    %slice3A_35 = vector.extract_strided_slice %get3A_31 {offsets = [0, 4], sizes = [12, 1], strides = [1, 1]} : vector<12x5xf32> to vector<12x1xf32>
    %min3A = vector.broadcast %slice3A_33 : vector<12x1xf32> to vector<12x8736xf32>
    %min3A_36 = vector.broadcast %add3A : vector<1x8736xf32> to vector<12x8736xf32>
    %min3A_37 = arith.minimumf %min3A, %min3A_36 : vector<12x8736xf32>
    %max3A = vector.broadcast %slice3A : vector<12x1xf32> to vector<12x8736xf32>
    %max3A_38 = vector.broadcast %sub3A : vector<1x8736xf32> to vector<12x8736xf32>
    %max3A_39 = arith.maximumf %max3A, %max3A_38 : vector<12x8736xf32>
    %sub3A_40 = arith.subf %min3A_37, %max3A_39 : vector<12x8736xf32>
    %max3A_41 = arith.constant 0.000000e+00 : f32
    %max3A_42 = vector.broadcast %max3A_41 : f32 to vector<12x8736xf32>
    %max3A_43 = arith.maximumf %sub3A_40, %max3A_42 : vector<12x8736xf32>
    %min3A_44 = vector.broadcast %slice3A_34 : vector<12x1xf32> to vector<12x8736xf32>
    %min3A_45 = vector.broadcast %add3A_23 : vector<1x8736xf32> to vector<12x8736xf32>
    %min3A_46 = arith.minimumf %min3A_44, %min3A_45 : vector<12x8736xf32>
    %max3A_47 = vector.broadcast %slice3A_32 : vector<12x1xf32> to vector<12x8736xf32>
    %max3A_48 = vector.broadcast %sub3A_16 : vector<1x8736xf32> to vector<12x8736xf32>
    %max3A_49 = arith.maximumf %max3A_47, %max3A_48 : vector<12x8736xf32>
    %sub3A_50 = arith.subf %min3A_46, %max3A_49 : vector<12x8736xf32>
    %max3A_51 = arith.constant 0.000000e+00 : f32
    %max3A_52 = vector.broadcast %max3A_51 : f32 to vector<12x8736xf32>
    %max3A_53 = arith.maximumf %sub3A_50, %max3A_52 : vector<12x8736xf32>
    %mul3A_54 = arith.mulf %max3A_43, %max3A_53 : vector<12x8736xf32>
    %sub3A_55 = arith.subf %slice3A_33, %slice3A : vector<12x1xf32>
    %sub3A_56 = arith.subf %slice3A_34, %slice3A_32 : vector<12x1xf32>
    %mul3A_57 = arith.mulf %sub3A_55, %sub3A_56 : vector<12x1xf32>
    %add3A_58 = vector.broadcast %mul3A_57 : vector<12x1xf32> to vector<12x8736xf32>
    %add3A_59 = vector.broadcast %mul3A_26 : vector<1x8736xf32> to vector<12x8736xf32>
    %add3A_60 = arith.addf %add3A_58, %add3A_59 : vector<12x8736xf32>
    %sub3A_61 = arith.subf %add3A_60, %mul3A_54 : vector<12x8736xf32>
    %div3A = arith.divf %mul3A_54, %sub3A_61 : vector<12x8736xf32>
    %iota3A = tpu.iota {dimensions = array<i32: 0>} : vector<12x8736xi32>
    %iota3A_62 = tpu.iota {dimensions = array<i32: 1>} : vector<12x8736xi32>
    %reduce_max3A = arith.constant dense<0xFF800000> : vector<8736xf32>
    %reduce_max3A_63 = vector.multi_reduction <maximumf>, %div3A, %reduce_max3A [0] : vector<12x8736xf32> to vector<8736xf32>
    %broadcast_in_dim3A = vector.shape_cast %reduce_max3A_63 : vector<8736xf32> to vector<1x8736xf32>
    %eq3A = vector.broadcast %broadcast_in_dim3A : vector<1x8736xf32> to vector<12x8736xf32>
    %eq3A_64 = arith.cmpf oeq, %div3A, %eq3A : vector<12x8736xf32>
    %jit3A = arith.constant 12 : i32
    %broadcast_in_dim3A_65 = vector.broadcast %jit3A : i32 to vector<12x8736xi32>
    %select_n3A = arith.select %eq3A_64, %iota3A, %broadcast_in_dim3A_65 : vector<12x8736xi1>, vector<12x8736xi32>
    %reduce_min3A = arith.constant dense<2147483647> : vector<8736xi32>
    %reduce_min3A_66 = vector.multi_reduction <minsi>, %select_n3A, %reduce_min3A [0] : vector<12x8736xi32> to vector<8736xi32>
    %broadcast_in_dim3A_67 = vector.shape_cast %reduce_min3A_66 : vector<8736xi32> to vector<1x8736xi32>
    %reduce_max3A_68 = arith.constant dense<0xFF800000> : vector<12xf32>
    %reduce_max3A_69 = vector.multi_reduction <maximumf>, %div3A, %reduce_max3A_68 [1] : vector<12x8736xf32> to vector<12xf32>
    %broadcast_in_dim3A_70 = vector.shape_cast %reduce_max3A_69 : vector<12xf32> to vector<12x1xf32>
    %eq3A_71 = vector.broadcast %broadcast_in_dim3A_70 : vector<12x1xf32> to vector<12x8736xf32>
    %eq3A_72 = arith.cmpf oeq, %div3A, %eq3A_71 : vector<12x8736xf32>
    %jit3A_73 = arith.constant 8736 : i32
    %broadcast_in_dim3A_74 = vector.broadcast %jit3A_73 : i32 to vector<12x8736xi32>
    %select_n3A_75 = arith.select %eq3A_72, %iota3A_62, %broadcast_in_dim3A_74 : vector<12x8736xi1>, vector<12x8736xi32>
    %reduce_min3A_76 = arith.constant dense<2147483647> : vector<12xi32>
    %reduce_min3A_77 = vector.multi_reduction <minsi>, %select_n3A_75, %reduce_min3A_76 [1] : vector<12x8736xi32> to vector<12xi32>
    %broadcast_in_dim3A_78 = vector.shape_cast %reduce_min3A_77 : vector<12xi32> to vector<12x1xi32>
    %eq3A_79 = vector.broadcast %broadcast_in_dim3A_78 : vector<12x1xi32> to vector<12x8736xi32>
    %eq3A_80 = arith.cmpi eq, %iota3A_62, %eq3A_79 : vector<12x8736xi32>
    %jit3A_81 = arith.constant -1 : i32
    %broadcast_in_dim3A_82 = vector.broadcast %jit3A_81 : i32 to vector<12x8736xi32>
    %select_n3A_83 = arith.select %eq3A_80, %iota3A, %broadcast_in_dim3A_82 : vector<12x8736xi1>, vector<12x8736xi32>
    %reduce_max3A_84 = arith.constant dense<-2147483648> : vector<8736xi32>
    %reduce_max3A_85 = vector.multi_reduction <maxsi>, %select_n3A_83, %reduce_max3A_84 [0] : vector<12x8736xi32> to vector<8736xi32>
    %broadcast_in_dim3A_86 = vector.shape_cast %reduce_max3A_85 : vector<8736xi32> to vector<1x8736xi32>
    %ge3A = arith.constant 0 : i32
    %ge3A_87 = vector.broadcast %ge3A : i32 to vector<1x8736xi32>
    %ge3A_88 = arith.cmpi sge, %broadcast_in_dim3A_86, %ge3A_87 : vector<1x8736xi32>
    %jit3A_89 = arith.constant 2.000000e+00 : f32
    %broadcast_in_dim3A_90 = vector.broadcast %jit3A_89 : f32 to vector<1x8736xf32>
    %select_n3A_91 = arith.select %ge3A_88, %broadcast_in_dim3A_90, %broadcast_in_dim3A : vector<1x8736xi1>, vector<1x8736xf32>
    %select_n3A_92 = arith.select %ge3A_88, %broadcast_in_dim3A_86, %broadcast_in_dim3A_67 : vector<1x8736xi1>, vector<1x8736xi32>
    %eq3A_93 = vector.broadcast %select_n3A_92 : vector<1x8736xi32> to vector<12x8736xi32>
    %eq3A_94 = arith.cmpi eq, %eq3A_93, %iota3A : vector<12x8736xi32>
    %jit3A_95 = arith.constant 0.000000e+00 : f32
    %broadcast_in_dim3A_96 = vector.shape_cast %slice3A_35 : vector<12x1xf32> to vector<12x1xf32>
    %broadcast_in_dim3A_97 = vector.broadcast %broadcast_in_dim3A_96 : vector<12x1xf32> to vector<12x8736xf32>
    %broadcast_in_dim3A_98 = vector.broadcast %jit3A_95 : f32 to vector<12x8736xf32>
    %select_n3A_99 = arith.select %eq3A_94, %broadcast_in_dim3A_97, %broadcast_in_dim3A_98 : vector<12x8736xi1>, vector<12x8736xf32>
    %reduce_sum3A = arith.constant dense<0.000000e+00> : vector<8736xf32>
    %reduce_sum3A_100 = vector.multi_reduction <add>, %select_n3A_99, %reduce_sum3A [0] : vector<12x8736xf32> to vector<8736xf32>
    %broadcast_in_dim3A_101 = vector.shape_cast %reduce_sum3A_100 : vector<8736xf32> to vector<1x8736xf32>
    %jit3A_102 = arith.constant 0.000000e+00 : f32
    %broadcast_in_dim3A_103 = vector.shape_cast %slice3A : vector<12x1xf32> to vector<12x1xf32>
    %broadcast_in_dim3A_104 = vector.broadcast %broadcast_in_dim3A_103 : vector<12x1xf32> to vector<12x8736xf32>
    %broadcast_in_dim3A_105 = vector.broadcast %jit3A_102 : f32 to vector<12x8736xf32>
    %select_n3A_106 = arith.select %eq3A_94, %broadcast_in_dim3A_104, %broadcast_in_dim3A_105 : vector<12x8736xi1>, vector<12x8736xf32>
    %reduce_sum3A_107 = arith.constant dense<0.000000e+00> : vector<8736xf32>
    %reduce_sum3A_108 = vector.multi_reduction <add>, %select_n3A_106, %reduce_sum3A_107 [0] : vector<12x8736xf32> to vector<8736xf32>
    %broadcast_in_dim3A_109 = vector.shape_cast %reduce_sum3A_108 : vector<8736xf32> to vector<1x8736xf32>
    %jit3A_110 = arith.constant 0.000000e+00 : f32
    %broadcast_in_dim3A_111 = vector.shape_cast %slice3A_32 : vector<12x1xf32> to vector<12x1xf32>
    %broadcast_in_dim3A_112 = vector.broadcast %broadcast_in_dim3A_111 : vector<12x1xf32> to vector<12x8736xf32>
    %broadcast_in_dim3A_113 = vector.broadcast %jit3A_110 : f32 to vector<12x8736xf32>
    %select_n3A_114 = arith.select %eq3A_94, %broadcast_in_dim3A_112, %broadcast_in_dim3A_113 : vector<12x8736xi1>, vector<12x8736xf32>
    %reduce_sum3A_115 = arith.constant dense<0.000000e+00> : vector<8736xf32>
    %reduce_sum3A_116 = vector.multi_reduction <add>, %select_n3A_114, %reduce_sum3A_115 [0] : vector<12x8736xf32> to vector<8736xf32>
    %broadcast_in_dim3A_117 = vector.shape_cast %reduce_sum3A_116 : vector<8736xf32> to vector<1x8736xf32>
    %jit3A_118 = arith.constant 0.000000e+00 : f32
    %broadcast_in_dim3A_119 = vector.shape_cast %slice3A_33 : vector<12x1xf32> to vector<12x1xf32>
    %broadcast_in_dim3A_120 = vector.broadcast %broadcast_in_dim3A_119 : vector<12x1xf32> to vector<12x8736xf32>
    %broadcast_in_dim3A_121 = vector.broadcast %jit3A_118 : f32 to vector<12x8736xf32>
    %select_n3A_122 = arith.select %eq3A_94, %broadcast_in_dim3A_120, %broadcast_in_dim3A_121 : vector<12x8736xi1>, vector<12x8736xf32>
    %reduce_sum3A_123 = arith.constant dense<0.000000e+00> : vector<8736xf32>
    %reduce_sum3A_124 = vector.multi_reduction <add>, %select_n3A_122, %reduce_sum3A_123 [0] : vector<12x8736xf32> to vector<8736xf32>
    %broadcast_in_dim3A_125 = vector.shape_cast %reduce_sum3A_124 : vector<8736xf32> to vector<1x8736xf32>
    %jit3A_126 = arith.constant 0.000000e+00 : f32
    %broadcast_in_dim3A_127 = vector.shape_cast %slice3A_34 : vector<12x1xf32> to vector<12x1xf32>
    %broadcast_in_dim3A_128 = vector.broadcast %broadcast_in_dim3A_127 : vector<12x1xf32> to vector<12x8736xf32>
    %broadcast_in_dim3A_129 = vector.broadcast %jit3A_126 : f32 to vector<12x8736xf32>
    %select_n3A_130 = arith.select %eq3A_94, %broadcast_in_dim3A_128, %broadcast_in_dim3A_129 : vector<12x8736xi1>, vector<12x8736xf32>
    %reduce_sum3A_131 = arith.constant dense<0.000000e+00> : vector<8736xf32>
    %reduce_sum3A_132 = vector.multi_reduction <add>, %select_n3A_130, %reduce_sum3A_131 [0] : vector<12x8736xf32> to vector<8736xf32>
    %broadcast_in_dim3A_133 = vector.shape_cast %reduce_sum3A_132 : vector<8736xf32> to vector<1x8736xf32>
    %lt3A = arith.constant 5.000000e-01 : f32
    %lt3A_134 = vector.broadcast %lt3A : f32 to vector<1x8736xf32>
    %lt3A_135 = arith.cmpf olt, %select_n3A_91, %lt3A_134 : vector<1x8736xf32>
    %convert_element_type3A = arith.fptosi %broadcast_in_dim3A_101 : vector<1x8736xf32> to vector<1x8736xi32>
    %jit3A_136 = arith.constant 0 : i32
    %broadcast_in_dim3A_137 = vector.broadcast %jit3A_136 : i32 to vector<1x8736xi32>
    %select_n3A_138 = arith.select %lt3A_135, %broadcast_in_dim3A_137, %convert_element_type3A : vector<1x8736xi1>, vector<1x8736xi32>
    %reshape3A = vector.shape_cast %select_n3A_138 : vector<1x8736xi32> to vector<1x1x8736xi32>
    %swap3A = arith.constant 0 : index
    %swap3A_139 = arith.constant 0 : index
    %swap3A_140 = arith.constant 0 : index
    %swap3A_141 = vector.load %arg4[%swap3A, %swap3A_139, %swap3A_140] : memref<1x1x8736xi32, #tpu.memory_space<vmem>>, vector<1x1x8736xi32>
    tpu.vector_store %arg4[%swap3A, %swap3A_139, %swap3A_140], %reshape3A {strides = array<i32>} : memref<1x1x8736xi32, #tpu.memory_space<vmem>>, vector<1x1x8736xi32>,
    %gt3A = arith.constant 0 : i32
    %gt3A_142 = vector.broadcast %gt3A : i32 to vector<1x8736xi32>
    %gt3A_143 = arith.cmpi sgt, %select_n3A_138, %gt3A_142 : vector<1x8736xi32>
    %convert_element_type3A_144 = arith.extui %gt3A_143 : vector<1x8736xi1> to vector<1x8736xi32>
    %convert_element_type3A_145 = arith.sitofp %convert_element_type3A_144 : vector<1x8736xi32> to vector<1x8736xf32>
    %add3A_146 = arith.addf %broadcast_in_dim3A_109, %broadcast_in_dim3A_125 : vector<1x8736xf32>
    %mul3A_147 = arith.constant 5.000000e-01 : f32
    %mul3A_148 = vector.broadcast %mul3A_147 : f32 to vector<1x8736xf32>
    %mul3A_149 = arith.mulf %add3A_146, %mul3A_148 : vector<1x8736xf32>
    %sub3A_150 = arith.subf %mul3A_149, %get3A_1 : vector<1x8736xf32>
    %mul3A_151 = arith.constant 1.000000e-01 : f32
    %mul3A_152 = vector.broadcast %mul3A_151 : f32 to vector<1x8736xf32>
    %mul3A_153 = arith.mulf %mul3A_152, %get3A_7 : vector<1x8736xf32>
    %div3A_154 = arith.divf %sub3A_150, %mul3A_153 : vector<1x8736xf32>
    %add3A_155 = arith.addf %broadcast_in_dim3A_117, %broadcast_in_dim3A_133 : vector<1x8736xf32>
    %mul3A_156 = arith.constant 5.000000e-01 : f32
    %mul3A_157 = vector.broadcast %mul3A_156 : f32 to vector<1x8736xf32>
    %mul3A_158 = arith.mulf %add3A_155, %mul3A_157 : vector<1x8736xf32>
    %sub3A_159 = arith.subf %mul3A_158, %get3A_4 : vector<1x8736xf32>
    %mul3A_160 = arith.constant 1.000000e-01 : f32
    %mul3A_161 = vector.broadcast %mul3A_160 : f32 to vector<1x8736xf32>
    %mul3A_162 = arith.mulf %mul3A_161, %get3A_10 : vector<1x8736xf32>
    %div3A_163 = arith.divf %sub3A_159, %mul3A_162 : vector<1x8736xf32>
    %sub3A_164 = arith.subf %broadcast_in_dim3A_125, %broadcast_in_dim3A_109 : vector<1x8736xf32>
    %div3A_165 = arith.divf %sub3A_164, %get3A_7 : vector<1x8736xf32>
    %log3A = math.log %div3A_165 : vector<1x8736xf32>
    %div3A_166 = arith.constant 2.000000e-01 : f32
    %div3A_167 = vector.broadcast %div3A_166 : f32 to vector<1x8736xf32>
    %div3A_168 = arith.divf %log3A, %div3A_167 : vector<1x8736xf32>
    %sub3A_169 = arith.subf %broadcast_in_dim3A_133, %broadcast_in_dim3A_117 : vector<1x8736xf32>
    %div3A_170 = arith.divf %sub3A_169, %get3A_10 : vector<1x8736xf32>
    %log3A_171 = math.log %div3A_170 : vector<1x8736xf32>
    %div3A_172 = arith.constant 2.000000e-01 : f32
    %div3A_173 = vector.broadcast %div3A_172 : f32 to vector<1x8736xf32>
    %div3A_174 = arith.divf %log3A_171, %div3A_173 : vector<1x8736xf32>
    %get3A_175 = arith.constant 0 : index
    %get3A_176 = arith.constant 0 : index
    %get3A_177 = arith.constant 0 : index
    %get3A_178 = vector.load %arg3[%get3A_175, %get3A_176, %get3A_177] : memref<1x4x8736xf32, #tpu.memory_space<vmem>>, vector<1x4x8736xf32>
    %get3A_179 = vector.shape_cast %get3A_178 : vector<1x4x8736xf32> to vector<4x8736xf32>
    %slice3A_180 = vector.extract_strided_slice %get3A_179 {offsets = [0, 0], sizes = [1, 8736], strides = [1, 1]} : vector<4x8736xf32> to vector<1x8736xf32>
    %sub3A_181 = arith.subf %slice3A_180, %div3A_154 : vector<1x8736xf32>
    %abs3A = math.absf %sub3A_181 : vector<1x8736xf32>
    %lt3A_182 = arith.constant 1.000000e+00 : f32
    %lt3A_183 = vector.broadcast %lt3A_182 : f32 to vector<1x8736xf32>
    %lt3A_184 = arith.cmpf olt, %abs3A, %lt3A_183 : vector<1x8736xf32>
    %mul3A_185 = arith.constant 5.000000e-01 : f32
    %mul3A_186 = vector.broadcast %mul3A_185 : f32 to vector<1x8736xf32>
    %mul3A_187 = arith.mulf %mul3A_186, %sub3A_181 : vector<1x8736xf32>
    %mul3A_188 = arith.mulf %mul3A_187, %sub3A_181 : vector<1x8736xf32>
    %sub3A_189 = arith.constant 5.000000e-01 : f32
    %sub3A_190 = vector.broadcast %sub3A_189 : f32 to vector<1x8736xf32>
    %sub3A_191 = arith.subf %abs3A, %sub3A_190 : vector<1x8736xf32>
    %select_n3A_192 = arith.select %lt3A_184, %mul3A_188, %sub3A_191 : vector<1x8736xi1>, vector<1x8736xf32>
    %mul3A_193 = arith.mulf %select_n3A_192, %convert_element_type3A_145 : vector<1x8736xf32>
    %reduce_sum3A_194 = vector.shape_cast %mul3A_193 : vector<1x8736xf32> to vector<1x1x8736xf32>
    %reduce_sum3A_195 = arith.constant dense<0.000000e+00> : vector<1xf32>
    %reduce_sum3A_196 = vector.multi_reduction <add>, %reduce_sum3A_194, %reduce_sum3A_195 [1, 2] : vector<1x1x8736xf32> to vector<1xf32>
    %reduce_sum3A_197 = vector.shape_cast %reduce_sum3A_196 : vector<1xf32> to vector<1x1x1xf32>
    %reduce_sum3A_198 = vector.extract %reduce_sum3A_197[0, 0, 0] : f32 from vector<1x1x1xf32>
    %add3A_199 = arith.constant 0.000000e+00 : f32
    %add3A_200 = arith.addf %add3A_199, %reduce_sum3A_198 : f32
    %slice3A_201 = vector.extract_strided_slice %get3A_179 {offsets = [1, 0], sizes = [1, 8736], strides = [1, 1]} : vector<4x8736xf32> to vector<1x8736xf32>
    %sub3A_202 = arith.subf %slice3A_201, %div3A_163 : vector<1x8736xf32>
    %abs3A_203 = math.absf %sub3A_202 : vector<1x8736xf32>
    %lt3A_204 = arith.constant 1.000000e+00 : f32
    %lt3A_205 = vector.broadcast %lt3A_204 : f32 to vector<1x8736xf32>
    %lt3A_206 = arith.cmpf olt, %abs3A_203, %lt3A_205 : vector<1x8736xf32>
    %mul3A_207 = arith.constant 5.000000e-01 : f32
    %mul3A_208 = vector.broadcast %mul3A_207 : f32 to vector<1x8736xf32>
    %mul3A_209 = arith.mulf %mul3A_208, %sub3A_202 : vector<1x8736xf32>
    %mul3A_210 = arith.mulf %mul3A_209, %sub3A_202 : vector<1x8736xf32>
    %sub3A_211 = arith.constant 5.000000e-01 : f32
    %sub3A_212 = vector.broadcast %sub3A_211 : f32 to vector<1x8736xf32>
    %sub3A_213 = arith.subf %abs3A_203, %sub3A_212 : vector<1x8736xf32>
    %select_n3A_214 = arith.select %lt3A_206, %mul3A_210, %sub3A_213 : vector<1x8736xi1>, vector<1x8736xf32>
    %mul3A_215 = arith.mulf %select_n3A_214, %convert_element_type3A_145 : vector<1x8736xf32>
    %reduce_sum3A_216 = vector.shape_cast %mul3A_215 : vector<1x8736xf32> to vector<1x1x8736xf32>
    %reduce_sum3A_217 = arith.constant dense<0.000000e+00> : vector<1xf32>
    %reduce_sum3A_218 = vector.multi_reduction <add>, %reduce_sum3A_216, %reduce_sum3A_217 [1, 2] : vector<1x1x8736xf32> to vector<1xf32>
    %reduce_sum3A_219 = vector.shape_cast %reduce_sum3A_218 : vector<1xf32> to vector<1x1x1xf32>
    %reduce_sum3A_220 = vector.extract %reduce_sum3A_219[0, 0, 0] : f32 from vector<1x1x1xf32>
    %add3A_221 = arith.addf %add3A_200, %reduce_sum3A_220 : f32
    %slice3A_222 = vector.extract_strided_slice %get3A_179 {offsets = [2, 0], sizes = [1, 8736], strides = [1, 1]} : vector<4x8736xf32> to vector<1x8736xf32>
    %sub3A_223 = arith.subf %slice3A_222, %div3A_168 : vector<1x8736xf32>
    %abs3A_224 = math.absf %sub3A_223 : vector<1x8736xf32>
    %lt3A_225 = arith.constant 1.000000e+00 : f32
    %lt3A_226 = vector.broadcast %lt3A_225 : f32 to vector<1x8736xf32>
    %lt3A_227 = arith.cmpf olt, %abs3A_224, %lt3A_226 : vector<1x8736xf32>
    %mul3A_228 = arith.constant 5.000000e-01 : f32
    %mul3A_229 = vector.broadcast %mul3A_228 : f32 to vector<1x8736xf32>
    %mul3A_230 = arith.mulf %mul3A_229, %sub3A_223 : vector<1x8736xf32>
    %mul3A_231 = arith.mulf %mul3A_230, %sub3A_223 : vector<1x8736xf32>
    %sub3A_232 = arith.constant 5.000000e-01 : f32
    %sub3A_233 = vector.broadcast %sub3A_232 : f32 to vector<1x8736xf32>
    %sub3A_234 = arith.subf %abs3A_224, %sub3A_233 : vector<1x8736xf32>
    %select_n3A_235 = arith.select %lt3A_227, %mul3A_231, %sub3A_234 : vector<1x8736xi1>, vector<1x8736xf32>
    %mul3A_236 = arith.mulf %select_n3A_235, %convert_element_type3A_145 : vector<1x8736xf32>
    %reduce_sum3A_237 = vector.shape_cast %mul3A_236 : vector<1x8736xf32> to vector<1x1x8736xf32>
    %reduce_sum3A_238 = arith.constant dense<0.000000e+00> : vector<1xf32>
    %reduce_sum3A_239 = vector.multi_reduction <add>, %reduce_sum3A_237, %reduce_sum3A_238 [1, 2] : vector<1x1x8736xf32> to vector<1xf32>
    %reduce_sum3A_240 = vector.shape_cast %reduce_sum3A_239 : vector<1xf32> to vector<1x1x1xf32>
    %reduce_sum3A_241 = vector.extract %reduce_sum3A_240[0, 0, 0] : f32 from vector<1x1x1xf32>
    %add3A_242 = arith.addf %add3A_221, %reduce_sum3A_241 : f32
    %slice3A_243 = vector.extract_strided_slice %get3A_179 {offsets = [3, 0], sizes = [1, 8736], strides = [1, 1]} : vector<4x8736xf32> to vector<1x8736xf32>
    %sub3A_244 = arith.subf %slice3A_243, %div3A_174 : vector<1x8736xf32>
    %abs3A_245 = math.absf %sub3A_244 : vector<1x8736xf32>
    %lt3A_246 = arith.constant 1.000000e+00 : f32
    %lt3A_247 = vector.broadcast %lt3A_246 : f32 to vector<1x8736xf32>
    %lt3A_248 = arith.cmpf olt, %abs3A_245, %lt3A_247 : vector<1x8736xf32>
    %mul3A_249 = arith.constant 5.000000e-01 : f32
    %mul3A_250 = vector.broadcast %mul3A_249 : f32 to vector<1x8736xf32>
    %mul3A_251 = arith.mulf %mul3A_250, %sub3A_244 : vector<1x8736xf32>
    %mul3A_252 = arith.mulf %mul3A_251, %sub3A_244 : vector<1x8736xf32>
    %sub3A_253 = arith.constant 5.000000e-01 : f32
    %sub3A_254 = vector.broadcast %sub3A_253 : f32 to vector<1x8736xf32>
    %sub3A_255 = arith.subf %abs3A_245, %sub3A_254 : vector<1x8736xf32>
    %select_n3A_256 = arith.select %lt3A_248, %mul3A_252, %sub3A_255 : vector<1x8736xi1>, vector<1x8736xf32>
    %mul3A_257 = arith.mulf %select_n3A_256, %convert_element_type3A_145 : vector<1x8736xf32>
    %reduce_sum3A_258 = vector.shape_cast %mul3A_257 : vector<1x8736xf32> to vector<1x1x8736xf32>
    %reduce_sum3A_259 = arith.constant dense<0.000000e+00> : vector<1xf32>
    %reduce_sum3A_260 = vector.multi_reduction <add>, %reduce_sum3A_258, %reduce_sum3A_259 [1, 2] : vector<1x1x8736xf32> to vector<1xf32>
    %reduce_sum3A_261 = vector.shape_cast %reduce_sum3A_260 : vector<1xf32> to vector<1x1x1xf32>
    %reduce_sum3A_262 = vector.extract %reduce_sum3A_261[0, 0, 0] : f32 from vector<1x1x1xf32>
    %add3A_263 = arith.addf %add3A_242, %reduce_sum3A_262 : f32
    %reshape3A_264 = vector.broadcast %add3A_263 : f32 to vector<1x1x1xf32>
    %swap3A_265 = arith.constant 0 : index
    %swap3A_266 = arith.constant 0 : index
    %swap3A_267 = arith.constant 0 : index
    %swap3A_268 = vector.load %arg5[%swap3A_265, %swap3A_266, %swap3A_267] : memref<1x1x1xf32, #tpu.memory_space<vmem>>, vector<1x1x1xf32>
    tpu.vector_store %arg5[%swap3A_265, %swap3A_266, %swap3A_267], %reshape3A_264 {strides = array<i32>} : memref<1x1x1xf32, #tpu.memory_space<vmem>>, vector<1x1x1xf32>,
    %reduce_sum3A_269 = vector.shape_cast %convert_element_type3A_145 : vector<1x8736xf32> to vector<1x1x8736xf32>
    %reduce_sum3A_270 = arith.constant dense<0.000000e+00> : vector<1xf32>
    %reduce_sum3A_271 = vector.multi_reduction <add>, %reduce_sum3A_269, %reduce_sum3A_270 [1, 2] : vector<1x1x8736xf32> to vector<1xf32>
    %reduce_sum3A_272 = vector.shape_cast %reduce_sum3A_271 : vector<1xf32> to vector<1x1x1xf32>
    %reduce_sum3A_273 = vector.extract %reduce_sum3A_272[0, 0, 0] : f32 from vector<1x1x1xf32>
    %convert_element_type3A_274 = arith.fptosi %reduce_sum3A_273 : f32 to i32
    %reshape3A_275 = vector.broadcast %convert_element_type3A_274 : i32 to vector<1x1x1xi32>
    %swap3A_276 = arith.constant 0 : index
    %swap3A_277 = arith.constant 0 : index
    %swap3A_278 = arith.constant 0 : index
    %swap3A_279 = vector.load %arg6[%swap3A_276, %swap3A_277, %swap3A_278] : memref<1x1x1xi32, #tpu.memory_space<vmem>>, vector<1x1x1xi32>
    tpu.vector_store %arg6[%swap3A_276, %swap3A_277, %swap3A_278], %reshape3A_275 {strides = array<i32>} : memref<1x1x1xi32, #tpu.memory_space<vmem>>, vector<1x1x1xi32>,
    return
  }
  func.func @transform_0(%arg0: i32) -> (i32, i32, i32) {
    %c0_i32 = arith.constant 0 : i32
    %c0_i32_0 = arith.constant 0 : i32
    %c0_i32_1 = arith.constant 0 : i32
    return %arg0, %c0_i32, %c0_i32_0 : i32, i32, i32
  }
  func.func @transform_1(%arg0: i32) -> (i32, i32) {
    %c0_i32 = arith.constant 0 : i32
    %c0_i32_0 = arith.constant 0 : i32
    %c0_i32_1 = arith.constant 0 : i32
    return %c0_i32, %c0_i32_0 : i32, i32
  }
  func.func @transform_2(%arg0: i32) -> (i32, i32, i32) {
    %c0_i32 = arith.constant 0 : i32
    %c0_i32_0 = arith.constant 0 : i32
    %c0_i32_1 = arith.constant 0 : i32
    return %arg0, %c0_i32, %c0_i32_0 : i32, i32, i32
  }
  func.func @transform_3(%arg0: i32) -> (i32, i32, i32) {
    %c0_i32 = arith.constant 0 : i32
    %c0_i32_0 = arith.constant 0 : i32
    %c0_i32_1 = arith.constant 0 : i32
    return %arg0, %c0_i32, %c0_i32_0 : i32, i32, i32
  }
  func.func @transform_4(%arg0: i32) -> (i32, i32, i32) {
    %c0_i32 = arith.constant 0 : i32
    %c0_i32_0 = arith.constant 0 : i32
    %c0_i32_1 = arith.constant 0 : i32
    return %arg0, %c0_i32, %c0_i32_0 : i32, i32, i32
  }
  func.func @transform_5(%arg0: i32) -> (i32, i32, i32) {
    %c0_i32 = arith.constant 0 : i32
    %c0_i32_0 = arith.constant 0 : i32
    %c0_i32_1 = arith.constant 0 : i32
    return %arg0, %c0_i32, %c0_i32_0 : i32, i32, i32
  }
}

module attributes {stable_mosaic.version = 14 : i64} {
  func.func @_ce_body(%arg0: i32, %arg1: i32, %arg2: memref<1x2048x81xf32, #tpu.memory_space<vmem>>, %arg3: memref<1x1x2048xi32, #tpu.memory_space<vmem>>, %arg4: memref<1x1x2048xf32, #tpu.memory_space<vmem>>) attributes {dimension_semantics = [#tpu.dimension_semantics<arbitrary>, #tpu.dimension_semantics<arbitrary>], iteration_bounds = array<i64: 32, 5>, scalar_prefetch = 0 : i64, scratch_operands = 0 : i64, tpu.core_type = #tpu.core_type<tc>, window_params = [{transform_indices = @transform_0, window_bounds = array<i64: 1, 2048, 81>}, {transform_indices = @transform_1, window_bounds = array<i64: 1, 1, 2048>}, {transform_indices = @transform_2, window_bounds = array<i64: 1, 1, 2048>}]} {
    %get3A = arith.constant 0 : index
    %get3A_0 = arith.constant 0 : index
    %get3A_1 = arith.constant 0 : index
    %get3A_2 = vector.load %arg2[%get3A, %get3A_0, %get3A_1] : memref<1x2048x81xf32, #tpu.memory_space<vmem>>, vector<1x2048x81xf32>
    %get3A_3 = vector.shape_cast %get3A_2 : vector<1x2048x81xf32> to vector<2048x81xf32>
    %transpose3A = tpu.transpose %get3A_3, [1, 0] : vector<2048x81xf32> -> vector<81x2048xf32>
    %exp3A = math.exp %transpose3A : vector<81x2048xf32>
    %reduce_sum3A = arith.constant dense<0.000000e+00> : vector<2048xf32>
    %reduce_sum3A_4 = vector.multi_reduction <add>, %exp3A, %reduce_sum3A [0] : vector<81x2048xf32> to vector<2048xf32>
    %broadcast_in_dim3A = vector.shape_cast %reduce_sum3A_4 : vector<2048xf32> to vector<1x2048xf32>
    %iota3A = tpu.iota {dimensions = array<i32: 0>} : vector<81x2048xi32>
    %get3A_5 = arith.constant 0 : index
    %get3A_6 = arith.constant 0 : index
    %get3A_7 = arith.constant 0 : index
    %get3A_8 = vector.load %arg3[%get3A_5, %get3A_6, %get3A_7] : memref<1x1x2048xi32, #tpu.memory_space<vmem>>, vector<1x1x2048xi32>
    %get3A_9 = vector.shape_cast %get3A_8 : vector<1x1x2048xi32> to vector<1x2048xi32>
    %eq3A = vector.broadcast %get3A_9 : vector<1x2048xi32> to vector<81x2048xi32>
    %eq3A_10 = arith.cmpi eq, %iota3A, %eq3A : vector<81x2048xi32>
    %jit3A = arith.constant 0.000000e+00 : f32
    %broadcast_in_dim3A_11 = vector.broadcast %jit3A : f32 to vector<81x2048xf32>
    %select_n3A = arith.select %eq3A_10, %exp3A, %broadcast_in_dim3A_11 : vector<81x2048xi1>, vector<81x2048xf32>
    %reduce_sum3A_12 = arith.constant dense<0.000000e+00> : vector<2048xf32>
    %reduce_sum3A_13 = vector.multi_reduction <add>, %select_n3A, %reduce_sum3A_12 [0] : vector<81x2048xf32> to vector<2048xf32>
    %broadcast_in_dim3A_14 = vector.shape_cast %reduce_sum3A_13 : vector<2048xf32> to vector<1x2048xf32>
    %div3A = arith.divf %broadcast_in_dim3A, %broadcast_in_dim3A_14 : vector<1x2048xf32>
    %swap3A = arith.constant 0 : index
    %swap3A_15 = arith.constant 0 : index
    %swap3A_16 = arith.constant 0 : index
    %swap3A_17 = vector.load %arg4[%swap3A, %swap3A_15, %swap3A_16] : memref<1x1x2048xf32, #tpu.memory_space<vmem>>, vector<1x1x2048xf32>
    %swap3A_18 = vector.shape_cast %swap3A_17 : vector<1x1x2048xf32> to vector<1x2048xf32>
    %swap3A_19 = vector.shape_cast %div3A : vector<1x2048xf32> to vector<1x1x2048xf32>
    tpu.vector_store %arg4[%swap3A, %swap3A_15, %swap3A_16], %swap3A_19 {strides = array<i32>} : memref<1x1x2048xf32, #tpu.memory_space<vmem>>, vector<1x1x2048xf32>,
    return
  }
  func.func @transform_0(%arg0: i32, %arg1: i32) -> (i32, i32, i32) {
    %c0_i32 = arith.constant 0 : i32
    %c0_i32_0 = arith.constant 0 : i32
    return %arg0, %arg1, %c0_i32 : i32, i32, i32
  }
  func.func @transform_1(%arg0: i32, %arg1: i32) -> (i32, i32, i32) {
    %c0_i32 = arith.constant 0 : i32
    %c0_i32_0 = arith.constant 0 : i32
    return %arg0, %c0_i32, %arg1 : i32, i32, i32
  }
  func.func @transform_2(%arg0: i32, %arg1: i32) -> (i32, i32, i32) {
    %c0_i32 = arith.constant 0 : i32
    %c0_i32_0 = arith.constant 0 : i32
    return %arg0, %c0_i32, %arg1 : i32, i32, i32
  }
}

module attributes {stable_mosaic.version = 14 : i64} {
  func.func @_comb_body(%arg0: memref<32x1xf32, #tpu.memory_space<vmem>>, %arg1: memref<32x1xi32, #tpu.memory_space<vmem>>, %arg2: memref<32x16xf32, #tpu.memory_space<vmem>>, %arg3: memref<1x1xf32, #tpu.memory_space<vmem>>, %arg4: memref<1x1xf32, #tpu.memory_space<vmem>>) attributes {dimension_semantics = [], scalar_prefetch = 0 : i64, scratch_operands = 0 : i64, tpu.core_type = #tpu.core_type<tc>} {
    %get3A = arith.constant 0 : index
    %get3A_0 = arith.constant 0 : index
    %get3A_1 = vector.load %arg1[%get3A, %get3A_0] : memref<32x1xi32, #tpu.memory_space<vmem>>, vector<32x1xi32>
    %reduce_sum3A = vector.shape_cast %get3A_1 : vector<32x1xi32> to vector<1x32x1xi32>
    %reduce_sum3A_2 = arith.constant dense<0> : vector<1xi32>
    %reduce_sum3A_3 = vector.multi_reduction <add>, %reduce_sum3A, %reduce_sum3A_2 [1, 2] : vector<1x32x1xi32> to vector<1xi32>
    %reduce_sum3A_4 = vector.shape_cast %reduce_sum3A_3 : vector<1xi32> to vector<1x1x1xi32>
    %reduce_sum3A_5 = vector.extract %reduce_sum3A_4[0, 0, 0] : i32 from vector<1x1x1xi32>
    %convert_element_type3A = arith.sitofp %reduce_sum3A_5 : i32 to f32
    %get3A_6 = arith.constant 0 : index
    %get3A_7 = arith.constant 0 : index
    %get3A_8 = vector.load %arg0[%get3A_6, %get3A_7] : memref<32x1xf32, #tpu.memory_space<vmem>>, vector<32x1xf32>
    %reduce_sum3A_9 = vector.shape_cast %get3A_8 : vector<32x1xf32> to vector<1x32x1xf32>
    %reduce_sum3A_10 = arith.constant dense<0.000000e+00> : vector<1xf32>
    %reduce_sum3A_11 = vector.multi_reduction <add>, %reduce_sum3A_9, %reduce_sum3A_10 [1, 2] : vector<1x32x1xf32> to vector<1xf32>
    %reduce_sum3A_12 = vector.shape_cast %reduce_sum3A_11 : vector<1xf32> to vector<1x1x1xf32>
    %reduce_sum3A_13 = vector.extract %reduce_sum3A_12[0, 0, 0] : f32 from vector<1x1x1xf32>
    %div3A = arith.divf %reduce_sum3A_13, %convert_element_type3A : f32
    %reshape3A = vector.broadcast %div3A : f32 to vector<1x1xf32>
    %swap3A = arith.constant 0 : index
    %swap3A_14 = arith.constant 0 : index
    %swap3A_15 = vector.load %arg3[%swap3A, %swap3A_14] : memref<1x1xf32, #tpu.memory_space<vmem>>, vector<1x1xf32>
    tpu.vector_store %arg3[%swap3A, %swap3A_14], %reshape3A {strides = array<i32>} : memref<1x1xf32, #tpu.memory_space<vmem>>, vector<1x1xf32>,
    %get3A_16 = arith.constant 0 : index
    %get3A_17 = arith.constant 0 : index
    %get3A_18 = vector.load %arg2[%get3A_16, %get3A_17] : memref<32x16xf32, #tpu.memory_space<vmem>>, vector<32x1xf32>
    %reduce_sum3A_19 = vector.shape_cast %get3A_18 : vector<32x1xf32> to vector<1x32x1xf32>
    %reduce_sum3A_20 = arith.constant dense<0.000000e+00> : vector<1xf32>
    %reduce_sum3A_21 = vector.multi_reduction <add>, %reduce_sum3A_19, %reduce_sum3A_20 [1, 2] : vector<1x32x1xf32> to vector<1xf32>
    %reduce_sum3A_22 = vector.shape_cast %reduce_sum3A_21 : vector<1xf32> to vector<1x1x1xf32>
    %reduce_sum3A_23 = vector.extract %reduce_sum3A_22[0, 0, 0] : f32 from vector<1x1x1xf32>
    %div3A_24 = arith.divf %reduce_sum3A_23, %convert_element_type3A : f32
    %reshape3A_25 = vector.broadcast %div3A_24 : f32 to vector<1x1xf32>
    %swap3A_26 = arith.constant 0 : index
    %swap3A_27 = arith.constant 0 : index
    %swap3A_28 = vector.load %arg4[%swap3A_26, %swap3A_27] : memref<1x1xf32, #tpu.memory_space<vmem>>, vector<1x1xf32>
    tpu.vector_store %arg4[%swap3A_26, %swap3A_27], %reshape3A_25 {strides = array<i32>} : memref<1x1xf32, #tpu.memory_space<vmem>>, vector<1x1xf32>,
    return
  }
}

</mosaic_0001>

<sc_bundles>
// kernel: kernel.6.cloned.1.call-start
scs
__scs_entry_jumppad:
0x0: {  	(pc) =	sbr.rel $0x88, $3  }
0x1: {  	(tag) =	ssettag $0x0;
	lr =	simm.s32 $0x1  }
0x2: {  	[smem:$0x3F9D] =	sst lr;
	_ =	strace $0xD0000000  }
0x3: {  	_ = 	snop  }
0x4: {  	_ = 	snop  }
0x5: {  	_ = 	snop  }
0x6: {  	_ = 	snop  }
0x7: {  	_ = 	snop  }
__scs_overlays_trampoline_lowered:
0x8: {  	[smem:$0x3FAC] =	sst s0  }
0x9: {  	[smem:$0x3FAD] =	sst s1  }
0xa: {  	[smem:$0x3FAE] =	sst s2  }
0xb: {  	[smem:$0x3FAF] =	sst s3  }
0xc: {  	[smem:$0x3FB0] =	sst s4  }
0xd: {  	[smem:$0x3FB1] =	sst s5  }
0xe: {  	[smem:$0x3FB2] =	sst s6  }
0xf: {  	[smem:$0x3FB3] =	sst s7  }
0x10: {  	[smem:$0x3FB4] =	sst s8  }
0x11: {  	[smem:$0x3FB5] =	sst s9;
	s0 =	simm.s32 @!p0 $0x0  }
0x12: {  	s1 =	sld [smem:$0x3F9B];
	s0 =	simm.s32 @p0 $0x1  }
0x13: {  	[smem:$0x3FB6] =	sst s0;
	s0 =	simm.s32 @!p1 $0x0  }
0x14: {  	s2 =	sld [smem:$0x3F9A];
	s0 =	simm.s32 @p1 $0x1  }
0x15: {  	[smem:$0x3FB7] =	sst s0;
	s0 =	simm.s32 @!p2 $0x0  }
0x16: {  	s3 =	sld [smem:$0x3FDB];
	s0 =	simm.s32 @p2 $0x1  }
0x17: {  	s4 =	simm.s32 $0x1BF5;
	[smem:$0x3FB9] =	sst s0  }
0x18: {  	s0 =	sld [smem:$0x3F9C];
	_ =	swait.ge [sflag:s4], $0x0  }
0x19: {  	s7 =	sld [smem:$0x3F9D]  }
0x1a: {  	s8 =	sadd.s32 $0xFFFFE003, lr  }
0x1b: {  	s9 =	sadd.s32 $0xFFFFFEF7, lr;
	s5 =	simm.s32 $0xFFFFFFFF;
	p2 =	slt.u32 s8, $0xFFFFF086  }
0x1c: {  	p1 =	slt.u32 s9, $0xF7A;
	s5 =	simm.s32 @!p2 $0x0  }
0x1d: {  	s5 =	simm.s32 @p1 $0x1;
	p0 =	seq.s32 s7, s2  }
0x1e: {  	s7 =	smul.u32 @!p0 $0xF7A, s2;
	p2 =	seq.s32 @!p0 s5, $0x0  }
0x1f: {  	s9 =	smul.u32 $0xF7A, s1;
	s8 =	simm.s32 @!p0 $0x1BF5;
	p2 =	por !p2, p0  }
0x20: {  	[sflag:s8] =	ssyncset.s32 @!p0 $0xFFFFF086;
	s6 =	sadd.s32 @!p0 s3, s7;
	s7 =	simm.s32 @!p0 $0x108  }
0x21: {  	s3 =	sadd.s32 s3, s9;
	s6 =	sadd.s32 @!p0 $0x88, s6;
	s7 =	simm.s32 @p2 $0x1082  }
0x22: {  	[simem:s7], [sflag:s8] =	dma.local @!p0 [hbm:s6], $0xF7A  }
0x23: {  	s9 =	sor.u32 $0xD0000000, s2;
	s6 =	simm.s32 $0x108;
	_ =	swait.ge @!p0 [sflag:s8], $0x0  }
0x24: {  	s3 =	sadd.s32 $0x88, s3;
	s6 =	simm.s32 @!p1 $0x1082;
	[sflag:s4] =	ssyncset.s32 $0xFFFFF086  }
0x25: {  	[simem:s6], [sflag:s4] =	dma.local [hbm:s3], $0xF7A  }
0x26: {  	[smem:$0x3F9D] =	sst s1;
	(tag) =	ssettag s2;
	_ =	strace s9  }
0x27: {  	s1 =	sld [smem:$0x3FAD]  }
0x28: {  	s2 =	sld [smem:$0x3FAE]  }
0x29: {  	s4 =	sld [smem:$0x3FB0]  }
0x2a: {  	p0 =	seq.s32 s5, $0x0;
	s5 =	sld [smem:$0x3FB1]  }
0x2b: {  	s6 =	sld [smem:$0x3FB2]  }
0x2c: {  	s7 =	sld [smem:$0x3FB3]  }
0x2d: {  	s3 =	simm.s32 $0x108;
	s8 =	sld [smem:$0x3FB4]  }
0x2e: {  	s3 =	simm.s32 @!p0 $0x1082;
	s9 =	sld [smem:$0x3FB5]  }
0x2f: {  	lr =	sadd.s32 s0, s3;
	s0 =	sld [smem:$0x3FAC]  }
0x30: {  	s3 =	sld [smem:$0x3FAF]  }
0x31: {  	[smem:$0x3FB8] =	sst s10  }
0x32: {  	s10 =	sld [smem:$0x3FB6];
	_ =	sdelay $0x3  }
0x33: {  	p0 =	seq.s32 s10, $0x1;
	s10 =	sld [smem:$0x3FB8];
	_ =	sdelay $0x3  }
0x34: {  	[smem:$0x3FB8] =	sst s10  }
0x35: {  	s10 =	sld [smem:$0x3FB7];
	_ =	sdelay $0x3  }
0x36: {  	p1 =	seq.s32 s10, $0x1;
	s10 =	sld [smem:$0x3FB8];
	_ =	sdelay $0x3  }
0x37: {  	[smem:$0x3FB8] =	sst s10  }
0x38: {  	s10 =	sld [smem:$0x3FB9]  }
0x39: {  	_ = 	snop;
	(pc) =	sbr.ind lr, $3  }
0x3a: {  	_ = 	snop  }
0x3b: {  	_ = 	snop  }
0x3c: {  	p2 =	seq.s32 s10, $0x1;
	s10 =	sld [smem:$0x3FB8]  }
0x3d: {  	_ =	shalt  }
0x3e: {  	_ =	shalt  }
0x3f: {  	_ =	shalt  }
0x40: {  	_ =	shalt  }
0x41: {  	_ =	shalt  }
0x42: {  	_ =	shalt  }
0x43: {  	_ =	shalt  }
0x44: {  	_ =	shalt  }
0x45: {  	_ =	shalt  }
0x46: {  	_ =	shalt  }
0x47: {  	_ =	shalt  }
0x48: {  	_ =	shalt  }
0x49: {  	_ =	shalt  }
0x4a: {  	_ =	shalt  }
0x4b: {  	_ =	shalt  }
0x4c: {  	_ =	shalt  }
0x4d: {  	_ =	shalt  }
0x4e: {  	_ =	shalt  }
0x4f: {  	_ =	shalt  }
0x50: {  	_ =	shalt  }
0x51: {  	_ =	shalt  }
0x52: {  	_ =	shalt  }
0x53: {  	_ =	shalt  }
0x54: {  	_ =	shalt  }
0x55: {  	_ =	shalt  }
0x56: {  	_ =	shalt  }
0x57: {  	_ =	shalt  }
0x58: {  	_ =	shalt  }
0x59: {  	_ =	shalt  }
0x5a: {  	_ =	shalt  }
0x5b: {  	_ =	shalt  }
0x5c: {  	_ =	shalt  }
0x5d: {  	_ =	shalt  }
0x5e: {  	_ =	shalt  }
0x5f: {  	_ =	shalt  }
0x60: {  	_ =	shalt  }
0x61: {  	_ =	shalt  }
0x62: {  	_ =	shalt  }
0x63: {  	_ =	shalt  }
0x64: {  	_ =	shalt  }
0x65: {  	_ =	shalt  }
0x66: {  	_ =	shalt  }
0x67: {  	_ =	shalt  }
0x68: {  	_ =	shalt  }
0x69: {  	_ =	shalt  }
0x6a: {  	_ =	shalt  }
0x6b: {  	_ =	shalt  }
0x6c: {  	_ =	shalt  }
0x6d: {  	_ =	shalt  }
0x6e: {  	_ =	shalt  }
0x6f: {  	_ =	shalt  }
0x70: {  	_ =	shalt  }
0x71: {  	_ =	shalt  }
0x72: {  	_ =	shalt  }
0x73: {  	_ =	shalt  }
0x74: {  	_ =	shalt  }
0x75: {  	_ =	shalt  }
0x76: {  	_ =	shalt  }
0x77: {  	_ =	shalt  }
0x78: {  	_ =	shalt  }
0x79: {  	_ =	shalt  }
0x7a: {  	_ =	shalt  }
0x7b: {  	_ =	shalt  }
0x7c: {  	_ =	shalt  }
0x7d: {  	_ =	shalt  }
0x7e: {  	_ =	shalt  }
0x7f: {  	_ =	shalt  }
0x80: {  	_ =	shalt  }
0x81: {  	_ =	shalt  }
0x82: {  	_ =	shalt  }
0x83: {  	_ =	shalt  }
0x84: {  	_ =	shalt  }
0x85: {  	_ =	shalt  }
0x86: {  	_ =	shalt  }
0x87: {  	_ =	shalt  }
.Lfunc_end0:
.L_simem_size_0:
called_computation_lowered:
.L_overlay_start_0:
0x88: {  	s2 =	sld [smem:$0x3FD9]  }
0x89: {  	s3 =	sld [smem:$0x3FFE];
	_ =	sdelay $0x1  }
0x8a: {  	s1 =	srdreg.scid  }
0x8b: {  	s0 =	sand.u32 $0x1, s1  }
0x8c: {  	s14 =	sshll.u32 s0, $0xA;
	s2 =	sadd.s32 s3, s2  }
0x8d: {  	s2 =	sadd.s32 s2, s14  }
0x8e: {  	[smem:$0x3FC4] =	sst s2  }
0x8f: {  	_ = 	snop  }
0x90: {  	s2 =	sld [smem:$0x3FD0];
	_ =	sdelay $0x2  }
0x91: {  	s15 =	simm.s32 $0xA;
	s4 =	simm.s32 $0x10  }
0x92: {  	[smem:s4], [sflag:s15] =	dma.local [hbm:s2], $0x1  }
0x93: {  	_ =	swait.eq [sflag:s15], $0x1  }
0x94: {  	[sflag:s15] =	ssyncset.done $0x0  }
0x95: {  	[sflag:s15] =	ssyncadd.s32 $0xFFFFFFFF  }
0x96: {  	s16 =	sld [smem:$0x11];
	(tm) =	ssettm $0x1  }
0x97: {  	s17 =	sld [smem:$0x3FFB];
	_ =	sdelay $0x3  }
0x98: {  	_ =	strace s17  }
0x99: {  	s3 =	sld [smem:$0x3FFC];
	_ =	sdelay $0x3  }
0x9a: {  	_ =	strace s3  }
0x9b: {  	s3 =	sld [smem:$0x3FFD];
	_ =	sdelay $0x3  }
0x9c: {  	_ =	strace s3  }
0x9d: {  	_ =	strace $0x8FFFFFFF  }
0x9e: {  	s18 =	sld [smem:$0x3FDB];
	_ =	sdelay $0x1  }
0x9f: {  	s19 =	simm.s32 $_scs_section_size  }
0xa0: {  	s5 =	simm.s32 $_size__tile_overlayer_lowered;
	s6 =	simm.s32 $_tile_overlayer_lowered  }
0xa1: {  	s22 =	simm.s32 $0x1BFF;
	s21 =	sshll.u32 s6, $0x1;
	s3 =	sadd.s32 s19, s18  }
0xa2: {  	s7 =	simm.s32 $0x0;
	s20 =	sshll.u32 s5, $0x1;
	s5 =	sadd.s32 s21, s3  }
0xa3: {  	[timem:s7], [sflag:s22] =	dma.local [hbm:s5], s20  }
0xa4: {  	_ =	swait.ge [sflag:s22], s20  }
0xa5: {  	s4 =	ssub.s32 $0x0, s20;
	[sflag:s22] =	ssyncset.done $0x0  }
0xa6: {  	[sflag:s22] =	ssyncadd.s32 s4;
	_ =	sdelay $0x1  }
0xa7: {  	s23 =	simm.s32 $0x1B8B  }
0xa8: {  	_ =	swait.ge [sflag:s23], $0x1  }
0xa9: {  	[sflag:s23] =	ssyncset.done $0x0  }
0xaa: {  	s25 =	simm.s32 $0x1B8E;
	s24 =	sld [smem:$0x3FFE];
	[sflag:s23] =	ssyncadd.s32 $0xFFFFFFFF  }
0xab: {  	s26 =	simm.s32 $execute0_lowered;
	[smem:$0x3FD2] =	sst s25  }
0xac: {  	s5 =	sshll.u32 s26, $0x1;
	_ =	strace $0x80000046;
	[dreg:$0x1] =	wrdreg $0xFFFFFFFF  }
0xad: {  	s28 =	simm.s32 $_size_execute0_lowered;
	s3 =	sadd.s32 s3, s5;
	[dreg:$0x0] =	wrdreg $0x0  }
0xae: {  	s5 =	sshll.u32 s28, $0x1;
	[dreg:$0x2] =	wrdreg s3  }
0xaf: {  	[dreg:$0x3] =	wrdreg s5  }
0xb0: {  	[dreg:$0x4] =	wrdreg $0xC0  }
0xb1: {  	_ =	task [dreg:s7], $0x5FFFF  }
0xb2: {  	[dreg:$0x1] =	wrdreg $0xFFFFFFFF  }
0xb3: {  	[dreg:$0x0] =	wrdreg $0x60  }
0xb4: {  	[dreg:$0x2] =	wrdreg s24  }
0xb5: {  	[dreg:$0x3] =	wrdreg s16  }
0xb6: {  	[dreg:$0x4] =	wrdreg $0x9  }
0xb7: {  	_ =	task.clear_ibuf [dreg:s7], $0x5FFFF;
	_ =	strace $0x90000046  }
0xb8: {  	s29 =	simm.s32 $0x9;
	_ =	strace $0x80000048  }
0xb9: {  	_ =	swait.ge [sflag:s29], $0x1  }
0xba: {  	[sflag:s29] =	ssyncadd.s32 $0xFFFFFFFF  }
0xbb: {  	_ =	strace $0x90000048  }
0xbc: {  	_ =	sfence  }
0xbd: {  	s30 =	sld [smem:$0x0];
	_ =	sdelay $0x2  }
0xbe: {  	s31 =	sshll.u32 s1, $0xD;
	s1 =	sshrl.u32 s1, $0x2  }
0xbf: {  	s3 =	sand.u32 $0x4000, s31;
	s1 =	sadd.s32 s1, s30  }
0xc0: {  	s0 =	sor.u32 s3, s0;
	s1 =	sshll.u32 s1, $0x11  }
0xc1: {  	s0 =	sor.u32 s1, s0  }
0xc2: {  	s0 =	sadd.s32 $0x8F2B, s0  }
0xc3: {  	[sflag:s0] =	ssyncadd.remote.s32 $0x1  }
0xc4: {  	_ =	sfence.sel $0xFFFF  }
0xc5: {  	[dreg:$0x0] =	wrdreg $0xFFFFFFFF;
	(pc) =	sbr.abs _section_cstart, $3  }
0xc6: {  	[dreg:$0x1] =	wrdreg $0xFFFFFFFF  }
0xc7: {  	_ =	task.clear_ibuf [dreg:s7], $0x2FFFF;
	_ =	strace $0x9FFFFFFF  }
0xc8: {  	(tm) =	ssettm $0x7FFFFFFF  }
0xc9: {  	_ =	shalt  }
tec
execute0_lowered:
.L_overlay_start_1:
0x0: {  	(tag) =	ssettag $0x1  }
0x1: {  	s4 =	rddreg [dreg:$0x0];
	s1 =	srdreg.scid  }
0x2: {  	s0 =	stileid.u32;
	s2 =	rddreg [dreg:$0x1];
	s9 =	simm.s32 $0x400  }
0x3: {  	s12 =	simm.s32 $0x6780;
	s13 =	simm.s32 $0x40000000;
	s14 =	simm.s32 $0x6800  }
0x4: {  	s15 =	simm.s32 $0x0;
	s5 =	sand.u32 $0x1, s1;
	s3 =	sshll.u32 s0, $0x1  }
0x5: {  	s1 =	rddreg [dreg:$0x2];
	s6 =	sshrl.u32 s0, $0x2;
	s10 =	sor.u32 s5, s3  }
0x6: {  	s3 =	simm.s32 $0x0;
	s8 =	smul.u32 $0x11400, s6;
	s6 =	sshll.u32 s6, $0xA  }
0x7: {  	s5 =	ssub.s32 $0x2, s5;
	s7 =	sshll.u32 s10, $0x7;
	[smem:$0x7FF] =	sst s3  }
0x8: {  	s31 =	sshrl.u32 s5, $0x1;
	s11 =	sadd.s32 $0xFFFFFFF0, s10;
	s7 =	sand.u32 $0x380, s7  }
0x9: {  	v0 =	vmov s10;
	s10 =	simm.s32 $0x1;
	s8 =	sor.u32 s8, s7;
	s6 =	sor.u32 s6, s7  }
0xa: {  	_ =	strace $0x80000047;
	s8 =	sshrl.u32 s8, $0x3;
	s6 =	sshrl.u32 s6, $0x3  }
0xb: {  	v1 =	vmov s11;
	s11 =	simm.s32 $0x2280;
	s30 =	sadd.s32 s8, s4;
	s6 =	sadd.s32 s6, s4  }
0xc: {  	v2 =	vlaneseq.u32;
	s8 =	ssub.s32 s5, s31;
	s4 =	sadd.s32 $0x1400, s30;
	s5 =	sadd.s32 $0x445400, s30  }
0xd: {  	vm1 =	veq.s32 v0, v2;
	v0 =	vimm.s32 $0x0;
	vm0 =	veq.s32 v1, v2;
	s6 =	sadd.s32 $0x9E00, s6;
	s7 =	smax.u32 s8, $0x1;
	s8 =	simm.s32 $0x80  }
.LBB2_1:
0xe: {  	[tilespmem:s3], [sflag:$0x1] =	stream.strided.gather [hbm4b:s4+s8], $0x2280, s9, s8, $0x38;
	[tilespmem:$0x6880] =	vst v63  }
0xf: {  	_ =	swait.ge [sflag:s10], $0x2280  }
0x10: {  	[sflag:s10] =	ssyncset.done $0x0  }
0x11: {  	[sflag:s10] =	ssyncadd.s32 $0xFFFFDD80  }
0x12: {  	[tilespmem:s11], [sflag:$0x1] =	stream.strided.gather [hbm4b:s5+s8], $0x2280, s9, s8, $0x38;
	[tilespmem:$0x6880] =	vst v63  }
0x13: {  	_ =	swait.ge [sflag:s10], $0x2280  }
0x14: {  	[sflag:s10] =	ssyncset.done $0x0  }
0x15: {  	[sflag:s10] =	ssyncadd.s32 $0xFFFFDD80  }
0x16: {  	[tilespmem:s12], [sflag:$0x1] =	stream.linear.gather [hbm4b:s2+s3], $0x80, $0x38;
	[tilespmem:$0x6880] =	vst v63  }
0x17: {  	_ =	swait.ge [sflag:s10], $0x80  }
0x18: {  	[sflag:s10] =	ssyncset.done $0x0  }
0x19: {  	[sflag:s10] =	ssyncadd.s32 $0xFFFFFF80  }
0x1a: {  	v4 =	vld [tilespmem:$0x6780]  }
0x1b: {  	s17 =	simm.s32 $0x0;
	v3 =	vld [tilespmem:$0x6790]  }
0x1c: {  	v1 =	vld [tilespmem:s17+$0x2280]  }
0x1d: {  	s16 =	simm.s32 $0x40;
	v2 =	vld [tilespmem:s17+$0x0]  }
.LBB2_2:
0x1e: {  	p0 =	sne.s32 s16, $0x8840  }
.Ltmp0:
0x1f: {  	_ = 	snop;
	(pc) =	sbr.rel @p0 .LBB2_2-.Ltmp0, $4  }
0x20: {  	_ = 	snop  }
0x21: {  	s18 =	sshra.s32 s16, $0x2;
	s16 =	sadd.s32 $0x40, s16;
	vm2 =	vgt.s32 v1, $0x0  }
0x22: {  	v1 =	vld [tilespmem:s18+$0x2280];
	v5 =	vsel vm2, $0x3F800000, v2  }
0x23: {  	v2 =	vld [tilespmem:s18+$0x0];
	[tilespmem:s17+$0x4500] =	vst v5;
	s17 =	smov.u32 s18  }
0x24: {  	(xrf0) =	vadd.scan.msk.s32 $0xffff, v4  }
0x25: {  	v62 =	vnsel vm1, $0x0, v4;
	(xrf0) =	vadd.scan.msk.s32 $0xffff, v3  }
0x26: {  	v3 =	vnsel vm0, $0x0, v3;
	(xrf0) =	vadd.scan.msk.s32 $0xffff, v62  }
0x27: {  	(xrf0) =	vadd.scan.msk.s32 $0xffff, v3;
	_ =	sdelay $0x2  }
0x28: {  	v3, _, _ =	vpop (xrf0)  }
0x29: {  	v63, _, _ =	vpop (xrf0);
	(v2sf) =	vpush v3, $0xF  }
0x2a: {  	v3, _, _ =	vpop (xrf0);
	(v2sf) =	vpush v63, $0xF  }
0x2b: {  	(v2sf) =	vpush v3, $0xF;
	v3, _, _ =	vpop (xrf0)  }
0x2c: {  	(v2sf) =	vpush v3, $0xF;
	_ =	sdelay $0xb  }
0x2d: {  	s16 =	spop (v2sf)  }
0x2e: {  	s18 =	spop (v2sf)  }
0x2f: {  	s19 =	spop (v2sf)  }
0x30: {  	s20 =	spop (v2sf)  }
0x31: {  	s19 =	sadd.s32 s19, s20  }
0x32: {  	s16 =	sadd.s32 s18, s16;
	s19 =	smul.u32 $0x3, s19  }
0x33: {  	vm2 =	vgt.s32 v1, $0x0;
	s16 =	ssub.s32 $0x221B, s16  }
0x34: {  	v1 =	vsel vm2, $0x3F800000, v2;
	p0 =	slt.s32 s19, s16  }
0x35: {  	[tilespmem:s17+$0x4500] =	vst v1;
	s17 =	simm.s32 $0x0;
	s18 =	simm.s32 $0x0;
	s16 =	smov.u32 @p0 s19  }
.LBB2_4:
0x36: {  	s19 =	sshrl.u32 s13, s17;
	s21 =	simm.s32 $0x0  }
0x37: {  	s19 =	sadd.s32 s19, s18;
	v3 =	vld [tilespmem:s21+$0x4500]  }
0x38: {  	v1 =	vimm.s32 $0x0;
	s20 =	simm.s32 $0x40;
	v2 =	vmov s19  }
.LBB2_5:
0x39: {  	p0 =	sne.s32 s20, $0x8840  }
.Ltmp1:
0x3a: {  	_ = 	snop;
	(pc) =	sbr.rel @p0 .LBB2_5-.Ltmp1, $4  }
0x3b: {  	_ = 	snop  }
0x3c: {  	s21 =	sshra.s32 s20, $0x2;
	s20 =	sadd.s32 $0x40, s20;
	vm2 =	vge.s32 v3, v2  }
0x3d: {  	v3 =	vld [tilespmem:s21+$0x4500];
	v4 =	vsel vm2, $0x1, v0  }
0x3e: {  	v1 =	vadd.s32 v4, v1  }
0x3f: {  	_ =	sdelay $0x2  }
0x40: {  	vm2 =	vge.s32 v3, v2  }
0x41: {  	v2 =	vsel vm2, $0x1, v0  }
0x42: {  	v1 =	vadd.s32 v2, v1  }
0x43: {  	(xrf0) =	vadd.scan.msk.s32 $0xffff, v1;
	_ =	sdelay $0x5  }
0x44: {  	v1, _, _ =	vpop (xrf0)  }
0x45: {  	(v2sf) =	vpush v1, $0xF;
	_ =	sdelay $0xe  }
0x46: {  	s20 =	spop (v2sf)  }
0x47: {  	s17 =	sadd.s32 $0x1, s17;
	p0 =	slt.s32 s20, s16  }
0x48: {  	s19 =	smov.u32 @p0 s18;
	p0 =	seq.s32 s17, $0x1F  }
.Ltmp2:
0x49: {  	_ = 	snop;
	(pc) =	sbr.rel @!p0 .LBB2_4-.Ltmp2, $2  }
0x4a: {  	_ =	sdelay $0x2  }
0x4b: {  	s18 =	smov.u32 s19  }
0x4c: {  	s18 =	simm.s32 $0x0  }
0x4d: {  	v3 =	vld [tilespmem:s18+$0x0];
	_ =	sdelay $0x4  }
0x4e: {  	v5 =	vand.u32 $0x7FFFFF, v3  }
0x4f: {  	s20 =	simm.s32 $0x10;
	v7 =	vor.u32 $0x3F800000, v5  }
0x50: {  	v6 =	vld [tilespmem:s20+$0x0];
	v5 =	vmul.f32 $4.343212400e-02, v7;
	_ =	sdelay $0x1  }
0x51: {  	v5 =	vadd.f32 $-4.048905670e-01, v5  }
0x52: {  	v8 =	vld [tilespmem:s18+$0x2280]  }
0x53: {  	s17 =	simm.s32 $0x20;
	v11 =	vld [tilespmem:s20+$0x2280];
	v5 =	vmul.f32 v7, v5  }
0x54: {  	v12 =	vld [tilespmem:s17+$0x0];
	v9 =	vand.u32 $0x7FFFFF, v6  }
0x55: {  	v10 =	vadd.f32 $1.593968630e+00, v5;
	v5 =	vor.u32 $0x3F800000, v9  }
0x56: {  	v1 =	vmov s19;
	v4 =	vimm.s32 $0x0;
	v9 =	vmul.f32 $4.343212400e-02, v5  }
0x57: {  	v2 =	vimm.f32 $0.0e+00;
	v13 =	vld [tilespmem:s17+$0x2280];
	v3 =	vshra.s32 v3, $0x17;
	v10 =	vmul.f32 v7, v10  }
0x58: {  	v6 =	vshra.s32 v6, $0x17;
	vm2 =	vgt.s32 v8, $0x0;
	v9 =	vadd.f32 $-4.048905670e-01, v9  }
0x59: {  	vm4 =	vgt.s32 v11, $0x0;
	v11 =	vshra.s32 v12, $0x17;
	v10 =	vadd.f32 $-3.492589710e+00, v10  }
0x5a: {  	v14 =	vadd.s32 $0xFFFFFF81, v3;
	v8 =	vadd.s32 $0xFFFFFF81, v6;
	v9 =	vmul.f32 v5, v9  }
0x5b: {  	vm3 =	vmmov vm2;
	v3 =	vand.u32 $0x7FFFFF, v12;
	v6 =	vmul.f32 v7, v10;
	v10 =	vld [tilespmem:s18+$0x4500];
	s18 =	simm.s32 $0x30  }
0x5c: {  	vm2 =	vgt.s32 v13, $0x0;
	v3 =	vor.u32 $0x3F800000, v3;
	v12 =	vld [tilespmem:s18+$0x0];
	v9 =	vadd.f32 $1.593968630e+00, v9  }
0x5d: {  	v15 =	vadd.f32 $5.046943190e+00, v6;
	v6 =	vadd.s32 $0xFFFFFF81, v11;
	v11 =	vmul.f32 $4.343212400e-02, v3  }
0x5e: {  	vm4 =	vmmov vm4;
	vm3 =	vmmov vm3;
	v9 =	vmul.f32 v5, v9  }
0x5f: {  	v13 =	vcvt.s32.f32 v14;
	v7 =	vmul.f32 v7, v15;
	v11 =	vadd.f32 $-4.048905670e-01, v11  }
0x60: {  	vm5 =	vgt.s32 v10, v1;
	v14 =	vadd.f32 $-3.492589710e+00, v9;
	vm6 =	veq.s32 v10, v1  }
0x61: {  	v7 =	vadd.f32 $-2.786831620e+00, v7;
	v10 =	vshra.s32 v12, $0x17;
	v9 =	vand.u32 $0x7FFFFF, v12  }
0x62: {  	v15 =	vld [tilespmem:s18+$0x2280];
	v16 =	vsel vm6, $0x1, v0;
	v19 =	vmul.f32 v3, v11;
	v20 =	vsel vm5, $0x1, v0  }
0x63: {  	v11 =	vimm.f32 $0.0e+00;
	v9 =	vor.u32 $0x3F800000, v9;
	v13 =	vadd.f32 v13, v7  }
0x64: {  	v18 =	vmul.f32 v5, v14;
	v14 =	vimm.s32 $0x0;
	v7 =	vadd.s32 $0xFFFFFF81, v10  }
0x65: {  	s19 =	simm.s32 $0x100;
	v12 =	vmul.f32 $4.343212400e-02, v9;
	v10 =	vimm.f32 $0.0e+00;
	v17 =	vmul.f32 $6.931471820e-01, v13;
	v13 =	vld [tilespmem:s20+$0x4500]  }
.LBB2_8:
0x66: {  	v4 =	vadd.s32 v20, v4;
	v14 =	vadd.s32 v16, v14;
	vm7 =	vmmov vm3  }
0x67: {  	s20 =	sshra.s32 s19, $0x2;
	p0 =	sne.s32 s19, $0x8840;
	s19 =	sadd.s32 $0x40, s19;
	vm3 =	vmmov vm4;
	vm4 =	vmmov vm2;
	vm2 =	vgt.s32 v15, $0x0  }
0x68: {  	v18 =	vadd.f32 $5.046943190e+00, v18;
	v16 =	vld [tilespmem:s20+$0x0];
	v15 =	vadd.f32 $1.593968630e+00, v19;
	v19 =	vnsel vm7, $0x0, v17  }
0x69: {  	v20 =	vnsel vm5, $0x0, v17;
	v17 =	vnsel vm6, $0x0, v17;
	v2 =	vadd.f32 v19, v2  }
0x6a: {  	v18 =	vmul.f32 v5, v18;
	v11 =	vadd.f32 v20, v11;
	v5 =	vmovc v3;
	v19 =	vmul.f32 v3, v15  }
0x6b: {  	v20 =	vcvt.s32.f32 v8;
	v10 =	vadd.f32 v17, v10;
	v8 =	vmovc v6;
	v3 =	vmovc v9;
	vm5 =	vgt.s32 v13, v1  }
.Ltmp3:
0x6c: {  	v18 =	vadd.f32 $-2.786831620e+00, v18;
	vm6 =	veq.s32 v13, v1;
	v15 =	vld [tilespmem:s20+$0x2280];
	v17 =	vadd.f32 $-3.492589710e+00, v19;
	(pc) =	sbr.rel @p0 .LBB2_8-.Ltmp3, $4  }
0x6d: {  	v6 =	vmovc v7;
	v13 =	vshra.s32 v16, $0x17;
	v9 =	vand.u32 $0x7FFFFF, v16;
	v16 =	vsel vm6, $0x1, v0  }
0x6e: {  	v19 =	vadd.f32 $-4.048905670e-01, v12;
	v20 =	vadd.f32 v20, v18;
	v9 =	vor.u32 $0x3F800000, v9  }
0x6f: {  	v7 =	vadd.s32 $0xFFFFFF81, v13;
	v18 =	vmul.f32 v5, v17;
	v12 =	vmul.f32 $4.343212400e-02, v9  }
0x70: {  	v19 =	vmul.f32 v3, v19;
	v17 =	vmul.f32 $6.931471820e-01, v20;
	v20 =	vsel vm5, $0x1, v0;
	v13 =	vld [tilespmem:s17+$0x4500];
	s17 =	smov.u32 s18;
	s18 =	smov.u32 s20  }
0x71: {  	vm7 =	vgt.s32 v15, $0x0;
	v4 =	vadd.s32 v20, v4  }
0x72: {  	v14 =	vadd.s32 v16, v14;
	vm3 =	vmmov vm3;
	vm4 =	vmmov vm4  }
0x73: {  	vm2 =	vmmov vm2;
	v39 =	vadd.f32 $5.046943190e+00, v18;
	v8 =	vcvt.s32.f32 v8  }
0x74: {  	v12 =	vadd.f32 $-4.048905670e-01, v12;
	v6 =	vcvt.s32.f32 v6;
	v7 =	vcvt.s32.f32 v7  }
0x75: {  	v38 =	vadd.f32 $1.593968630e+00, v19;
	v40 =	vnsel vm3, $0x0, v17;
	v41 =	vnsel vm5, $0x0, v17  }
0x76: {  	v42 =	vnsel vm6, $0x0, v17;
	vm4 =	vmmov vm4;
	v12 =	vmul.f32 v9, v12  }
0x77: {  	vm2 =	vmmov vm2;
	v2 =	vadd.f32 v40, v2;
	v15 =	vmul.f32 v3, v38  }
0x78: {  	v5 =	vmul.f32 v5, v39;
	v11 =	vadd.f32 v41, v11;
	v12 =	vadd.f32 $1.593968630e+00, v12  }
0x79: {  	v46 =	vld [tilespmem:s18+$0x4500];
	vm13 =	vmmov vm7;
	v10 =	vadd.f32 v42, v10;
	v15 =	vadd.f32 $-3.492589710e+00, v15  }
0x7a: {  	v45 =	vld [tilespmem:s17+$0x4500];
	vm2 =	vmmov vm2;
	v5 =	vadd.f32 $-2.786831620e+00, v5;
	v12 =	vmul.f32 v9, v12  }
0x7b: {  	vm6 =	vmmov vm13;
	vm3 =	vgt.s32 v13, v1;
	v43 =	vmul.f32 v3, v15  }
0x7c: {  	vm12 =	veq.s32 v13, v1;
	v5 =	vadd.f32 v8, v5;
	v12 =	vadd.f32 $-3.492589710e+00, v12  }
0x7d: {  	v13 =	vsel vm12, $0x1, v0;
	v44 =	vsel vm3, $0x1, v0;
	v8 =	vadd.f32 $5.046943190e+00, v43  }
0x7e: {  	vm14 =	veq.s32 v46, v1;
	v5 =	vmul.f32 $6.931471820e-01, v5;
	v12 =	vmul.f32 v9, v12  }
0x7f: {  	vm15 =	vgt.s32 v45, v1;
	v4 =	vadd.s32 v44, v4;
	v3 =	vmul.f32 v3, v8  }
0x80: {  	v48 =	vnsel vm3, $0x0, v5;
	vm3 =	veq.s32 v45, v1;
	v50 =	vadd.f32 $5.046943190e+00, v12  }
0x81: {  	v13 =	vadd.s32 v13, v14;
	v51 =	vsel vm3, $0x1, v0;
	v3 =	vadd.f32 $-2.786831620e+00, v3  }
0x82: {  	v53 =	vsel vm14, $0x1, v0;
	v12 =	vadd.s32 v51, v13;
	v52 =	vmul.f32 v9, v50  }
0x83: {  	v55 =	vsel vm15, $0x1, v0;
	v54 =	vadd.s32 v53, v12;
	v3 =	vadd.f32 v6, v3  }
0x84: {  	v47 =	vnsel vm4, $0x0, v5;
	v5 =	vnsel vm12, $0x0, v5;
	(xrf0) =	vadd.scan.msk.s32 $0xffff, v54;
	v9 =	vadd.f32 $-2.786831620e+00, v52  }
0x85: {  	v2 =	vadd.f32 v47, v2;
	v49 =	vadd.f32 v48, v11;
	v3 =	vmul.f32 $6.931471820e-01, v3  }
0x86: {  	v4 =	vadd.s32 v55, v4;
	v5 =	vadd.f32 v5, v10;
	v56 =	vadd.f32 v7, v9  }
0x87: {  	v57 =	vnsel vm2, $0x0, v3;
	v58 =	vnsel vm15, $0x0, v3;
	v3 =	vnsel vm3, $0x0, v3  }
0x88: {  	vm2 =	vgt.s32 v46, v1;
	vm3 =	vmmov vm6;
	v1 =	vmul.f32 $6.931471820e-01, v56  }
0x89: {  	v2 =	vadd.f32 v57, v2;
	v3 =	vadd.f32 v3, v5;
	v60 =	vsel vm2, $0x1, v0  }
0x8a: {  	v59 =	vadd.f32 v58, v49;
	v62, _, _ =	vpop (xrf0);
	v4 =	vadd.s32 v60, v4;
	v61 =	vnsel vm14, $0x0, v1  }
0x8b: {  	(v2sf) =	vpush v62, $0xF;
	v63 =	vnsel vm3, $0x0, v1;
	v3 =	vadd.f32 v61, v3  }
0x8c: {  	v1 =	vnsel vm2, $0x0, v1;
	(xrf0) =	vadd.scan.msk.s32 $0xffff, v4;
	v2 =	vadd.f32 v63, v2  }
0x8d: {  	v1 =	vadd.f32 v1, v59;
	(xrf2) =	vadd.scan.msk.f32 $0xffff, v3  }
0x8e: {  	(xrf2) =	vadd.scan.msk.f32 $0xffff, v2  }
0x8f: {  	(xrf2) =	vadd.scan.msk.f32 $0xffff, v1;
	_ =	sdelay $0x4  }
0x90: {  	v1, _, _ =	vpop (xrf0)  }
0x91: {  	(v2sf) =	vpush v1, $0xF;
	_ =	sdelay $0x1  }
0x92: {  	v1, _, _ =	vpop (xrf2)  }
0x93: {  	v2, _, _ =	vpop (xrf2);
	(v2sf) =	vpush v1, $0xF  }
0x94: {  	(v2sf) =	vpush v2, $0xF;
	v1, _, _ =	vpop (xrf2)  }
0x95: {  	s17 =	spop (v2sf);
	(v2sf) =	vpush v1, $0xF  }
0x96: {  	p0 =	sgt.s32 s17, $0x1  }
0x97: {  	s17 =	simm.s32 @!p0 $0x1  }
0x98: {  	s17 =	scvt.s32.f32 s17;
	_ =	sdelay $0x1  }
0x99: {  	v1 =	vmov s17  }
0x9a: {  	(erf) = vrcp.f32 v1;
	_ =	sdelay $0x3  }
0x9b: {  	s26 =	spop (v2sf)  }
0x9c: {  	s16 =	ssub.s32 s16, s26  }
0x9d: {  	s16 =	scvt.s32.f32 s16  }
0x9e: {  	s28 =	spop (v2sf)  }
0x9f: {  	s29 =	spop (v2sf);
	s16 =	smul.f32 s16, s28  }
0xa0: {  	v1 =	vpop (erf);
	s30 =	spop (v2sf)  }
0xa1: {  	v1 =	vmul.f32 s16, v1;
	s31 =	sadd.f32 s29, s30;
	_ =	sdelay $0x1  }
0xa2: {  	s15 =	sadd.s32 $0x1, s15;
	v1 =	vadd.f32 s31, v1  }
0xa3: {  	p0 =	sne.s32 s15, s7  }
.Ltmp4:
0xa4: {  	[tilespmem:$0x6800] =	vst v1;
	(pc) =	sbr.rel @p0 .LBB2_1-.Ltmp4, $4  }
0xa5: {  	[hbm4b:s6+s3] =	stream.linear.scatter [tilespmem:s14], [sflag:$0x1], $0x80, $0x38;
	[tilespmem:$0x6880] =	vst v63  }
0xa6: {  	_ =	swait.ge [sflag:s10], $0x80  }
0xa7: {  	[sflag:s10] =	ssyncset.done $0x0  }
0xa8: {  	[sflag:s10] =	ssyncadd.s32 $0xFFFFFF80  }
0xa9: {  	_ =	sfence.sel $0x180000  }
0xaa: {  	[bflag:$0x0] =	sbarrier.arrive $0xFFFF  }
0xab: {  	p0 =	sne.s32 s0, $0x0;
	_ =	strace $0x90000047  }
0xac: {  	s0 =	sadd.s32 @!p0 $0x100000, s1;
	[bflag:$0x2] =	sbarrier.arrive $0xFFFF  }
0xad: {  	[sflag:s0] =	ssyncadd.tile.s32 @!p0 $0x1;
	_ =	shalt  }
.Lfunc_end2:
_tile_overlayer_lowered:
.L_overlay_start_2:
0xae: {  	(tag) =	ssettag $0x2  }
0xaf: {  	s0 =	rddreg [dreg:$0x0];
	s2 =	stileid.u32  }
0xb0: {  	s1 =	rddreg [dreg:$0x1];
	p0 =	sne.s32 s2, $0x0  }
0xb1: {  	s3 =	rddreg [dreg:$0x2];
	[bflag:$0x3] =	sbarrier.arrive $0xFFFF;
	s2 =	simm.s32 @!p0 $0x1C01  }
0xb2: {  	[timem:s3], [sflag:s2] =	dma.local @!p0 [hbm:s0], s1  }
0xb3: {  	s0 =	simm.s32 @!p0 $0x1  }
0xb4: {  	_ =	swait.ge @!p0 [sflag:s0], s1  }
0xb5: {  	s1 =	ssub.s32 @!p0 $0x0, s1;
	[sflag:s0] =	ssyncset.done @!p0 $0x0  }
0xb6: {  	[sflag:s0] =	ssyncadd.s32 @!p0 s1  }
0xb7: {  	[bflag:$0x3] =	sbarrier.arrive $0xFFFF  }
0xb8: {  	_ =	shalt  }

</sc_bundles>
